<compile_context>
chip_gen: v7x
topology: tpu7x:2x2x1
jax: 0.10.2.dev20260603
libtpu: 0.0.44.dev20260713+nightly
codegen_flags: <defaults>
</compile_context>

<pallas_src>
import functools

import jax
import jax.numpy as jnp
from jax import lax
from jax.experimental import pallas as pl
from jax.experimental.pallas import tpu as pltpu
from jax.experimental.pallas import tpu_sc as plsc

_NC = 2
_NS = 16
_L = 16


def _sc_bprmf(B, K, n_users, n_items):
    NW = _NC * _NS
    n = B // NW
    CH = 256
    NCH = n // CH
    NG = CH // _L

    mesh = plsc.VectorSubcoreMesh(core_axis_name="c", subcore_axis_name="s")

    @functools.partial(
        pl.kernel,
        mesh=mesh,
        out_type=(
            jax.ShapeDtypeStruct((B,), jnp.float32),
            jax.ShapeDtypeStruct((B,), jnp.float32),
        ),
        scratch_types=[
            pltpu.VMEM((n,), jnp.int32),
            pltpu.VMEM((n,), jnp.int32),
            pltpu.VMEM((n,), jnp.int32),
            pltpu.VMEM((CH, K), jnp.float32),
            pltpu.VMEM((CH, K), jnp.float32),
            pltpu.VMEM((CH, K), jnp.float32),
            pltpu.VMEM((n,), jnp.float32),
            pltpu.VMEM((n,), jnp.float32),
            pltpu.SemaphoreType.DMA,
        ],
        compiler_params=pltpu.CompilerParams(needs_layout_passes=False),
    )
    def sc_kernel(u_hbm, ip_hbm, in_hbm, ue_hbm, ie_hbm, sp_hbm, sn_hbm,
                  u_idx, ip_idx, in_idx, ue_v, ipv, inv, sp_v, sn_v, sem):
        wid = lax.axis_index("s") * _NC + lax.axis_index("c")
        base = wid * n

        off = pl.ds(base, n)
        pltpu.sync_copy(u_hbm.at[off], u_idx)
        pltpu.sync_copy(ip_hbm.at[off], ip_idx)
        pltpu.sync_copy(in_hbm.at[off], in_idx)

        lanes = lax.iota(jnp.int32, _L)

        def chunk_body(c, carry):
            c0 = pl.multiple_of(c * CH, CH)

            def fire_body(g, carry2):
                r0 = pl.multiple_of(g * _L, _L)
                uvec = u_idx[pl.ds(c0 + r0, _L)]
                pvec = ip_idx[pl.ds(c0 + r0, _L)]
                nvec = in_idx[pl.ds(c0 + r0, _L)]
                for t in range(_L):
                    r = pl.ds(r0 + t, 1)
                    pltpu.async_copy(
                        ue_hbm.at[pl.ds(uvec[t], 1)], ue_v.at[r], sem)
                    pltpu.async_copy(
                        ie_hbm.at[pl.ds(pvec[t], 1)], ipv.at[r], sem)
                    pltpu.async_copy(
                        ie_hbm.at[pl.ds(nvec[t], 1)], inv.at[r], sem)
                return carry2

            lax.fori_loop(0, NG, fire_body, 0)

            pltpu.make_async_copy(ue_hbm.at[pl.ds(0, CH)], ue_v, sem).wait()
            pltpu.make_async_copy(ie_hbm.at[pl.ds(0, CH)], ipv, sem).wait()
            pltpu.make_async_copy(ie_hbm.at[pl.ds(0, CH)], inv, sem).wait()

            def group_body(g, carry2):
                row0 = pl.multiple_of(g * _L, _L)
                rows = row0 + lanes
                acc_p = jnp.zeros((_L,), jnp.float32)
                acc_n = jnp.zeros((_L,), jnp.float32)
                for k in range(K):
                    col = jnp.full((_L,), k, jnp.int32)
                    ue_k = plsc.load_gather(ue_v, [rows, col])
                    ip_k = plsc.load_gather(ipv, [rows, col])
                    in_k = plsc.load_gather(inv, [rows, col])
                    acc_p = acc_p + ue_k * ip_k
                    acc_n = acc_n + ue_k * in_k
                sp_v[pl.ds(c0 + row0, _L)] = acc_p
                sn_v[pl.ds(c0 + row0, _L)] = acc_n
                return carry2

            lax.fori_loop(0, NG, group_body, 0)
            return carry

        lax.fori_loop(0, NCH, chunk_body, 0)

        out_off = pl.ds(base, n)
        pltpu.sync_copy(sp_v, sp_hbm.at[out_off])
        pltpu.sync_copy(sn_v, sn_hbm.at[out_off])

    return sc_kernel


def kernel(u, i_pos, i_neg, user_emb, item_emb):
    B = u.shape[0]
    n_users, K = user_emb.shape
    n_items = item_emb.shape[0]
    fn = _sc_bprmf(B, K, n_users, n_items)
    return fn(u, i_pos, i_neg, user_emb, item_emb)

# --- scband reference (transcript-rebuilt; emitter-appended) ---
"""Pipeline reference for scband-bprmf-59493886984615 (READ-ONLY COPY).

The authoritative reference and input builder live on the scoring server;
editing this copy changes nothing except your own understanding.
"""

import jax, jax.numpy as jnp
import numpy as np

N_USERS = 1000000
N_ITEMS = 100000
K = 32
B = 16384

def setup_inputs(seed: int = 0) -> dict:
    key = jax.random.key(seed)
    k_u, k_ip, k_in, k_ue, k_ie = jax.random.split(key, 5)
    u = jax.random.randint(k_u, (B,), 0, N_USERS, dtype=jnp.int64 if jax.config.jax_enable_x64 else jnp.int32)
    i_pos = jax.random.randint(k_ip, (B,), 0, N_ITEMS, dtype=jnp.int64 if jax.config.jax_enable_x64 else jnp.int32)
    i_neg = jax.random.randint(k_in, (B,), 0, N_ITEMS, dtype=jnp.int64 if jax.config.jax_enable_x64 else jnp.int32)
    user_emb = jax.random.normal(k_ue, (N_USERS, K), dtype=jnp.float32) * 0.01
    item_emb = jax.random.normal(k_ie, (N_ITEMS, K), dtype=jnp.float32) * 0.01
    return {"u": u, "i_pos": i_pos, "i_neg": i_neg, "user_emb": user_emb, "item_emb": item_emb}

def _score(user_emb, item_emb, u, i):
    ue = jnp.take(user_emb, u, axis=0)
    ie = jnp.take(item_emb, i, axis=0)
    return jnp.sum(ue * ie, axis=1)

def reference(u, i_pos, i_neg, user_emb, item_emb):
    s_pos = _score(user_emb, item_emb, u, i_pos)
    s_neg = _score(user_emb, item_emb, u, i_neg)
    return (s_pos, s_neg)

if __name__ == "__main__":
    import jax
    _d = setup_inputs()
    print(jax.jit(kernel)(*tuple(_d.values())))

</pallas_src>

<mosaic_0001>
#map = affine_map<(d0, d1) -> (0)>
#map1 = affine_map<(d0, d1) -> (0, 0)>
module attributes {stable_mosaic.version = 14 : i64} {
  func.func @sc_kernel(%arg0: i32, %arg1: i32, %arg2: memref<16384xi32, #tpu.memory_space<hbm>>, %arg3: memref<16384xi32, #tpu.memory_space<hbm>>, %arg4: memref<16384xi32, #tpu.memory_space<hbm>>, %arg5: memref<1000000x32xf32, #tpu.memory_space<hbm>>, %arg6: memref<100000x32xf32, #tpu.memory_space<hbm>>, %arg7: memref<16384xf32, #tpu.memory_space<hbm>>, %arg8: memref<16384xf32, #tpu.memory_space<hbm>>, %arg9: memref<512xi32, #tpu.memory_space<vmem>>, %arg10: memref<512xi32, #tpu.memory_space<vmem>>, %arg11: memref<512xi32, #tpu.memory_space<vmem>>, %arg12: memref<256x32xf32, #tpu.memory_space<vmem>>, %arg13: memref<256x32xf32, #tpu.memory_space<vmem>>, %arg14: memref<256x32xf32, #tpu.memory_space<vmem>>, %arg15: memref<512xf32, #tpu.memory_space<vmem>>, %arg16: memref<512xf32, #tpu.memory_space<vmem>>, %arg17: memref<!tpu.dma_semaphore, #tpu.memory_space<semaphore_mem>>) attributes {dimension_semantics = [#tpu.dimension_semantics<core_parallel>, #tpu.dimension_semantics<subcore_parallel>], iteration_bounds = array<i64: 2, 16>, scalar_prefetch = 0 : i64, scratch_operands = 9 : i64, tpu.core_type = #tpu.core_type<sc_vector_subcore>, window_params = [{transform_indices = #map}, {transform_indices = #map}, {transform_indices = #map}, {transform_indices = #map1}, {transform_indices = #map1}, {transform_indices = #map}, {transform_indices = #map}]} {
    %mul3A = arith.constant 2 : i32
    %mul3A_0 = arith.muli %arg1, %mul3A : i32
    %add3A = arith.addi %mul3A_0, %arg0 : i32
    %mul3A_1 = arith.constant 512 : i32
    %mul3A_2 = arith.muli %add3A, %mul3A_1 : i32
    "tpu.region"() ({
      %run_scoped3A = tpu.sem_alloc : memref<!tpu.dma_semaphore, #tpu.memory_space<semaphore_mem>>
      %dma_start3A = tpu.memref_slice %arg2[%mul3A_2] : memref<16384xi32, #tpu.memory_space<hbm>> -> memref<512xi32, #tpu.memory_space<hbm>>
      %dma_start3A_8 = tpu.memref_slice %arg2[%mul3A_2] : memref<16384xi32, #tpu.memory_space<hbm>> -> memref<512xi32, #tpu.memory_space<hbm>>
      tpu.enqueue_dma source(%dma_start3A_8 : memref<512xi32, #tpu.memory_space<hbm>>) target(%arg9 : memref<512xi32, #tpu.memory_space<vmem>>) target_semaphore(%run_scoped3A : memref<!tpu.dma_semaphore, #tpu.memory_space<semaphore_mem>>)
      %dma_wait3A = tpu.memref_slice %arg2[%mul3A_2] : memref<16384xi32, #tpu.memory_space<hbm>> -> memref<512xi32, #tpu.memory_space<hbm>>
      %dma_wait3A_9 = tpu.memref_slice %arg2[%mul3A_2] : memref<16384xi32, #tpu.memory_space<hbm>> -> memref<512xi32, #tpu.memory_space<hbm>>
      tpu.wait_dma2 semaphore(%run_scoped3A : memref<!tpu.dma_semaphore, #tpu.memory_space<semaphore_mem>>) src(%dma_wait3A_9 : memref<512xi32, #tpu.memory_space<hbm>>) dst(%arg9 : memref<512xi32, #tpu.memory_space<vmem>>)
      tpu.yield
    }) : () -> ()
    "tpu.region"() ({
      %run_scoped3A = tpu.sem_alloc : memref<!tpu.dma_semaphore, #tpu.memory_space<semaphore_mem>>
      %dma_start3A = tpu.memref_slice %arg3[%mul3A_2] : memref<16384xi32, #tpu.memory_space<hbm>> -> memref<512xi32, #tpu.memory_space<hbm>>
      %dma_start3A_8 = tpu.memref_slice %arg3[%mul3A_2] : memref<16384xi32, #tpu.memory_space<hbm>> -> memref<512xi32, #tpu.memory_space<hbm>>
      tpu.enqueue_dma source(%dma_start3A_8 : memref<512xi32, #tpu.memory_space<hbm>>) target(%arg10 : memref<512xi32, #tpu.memory_space<vmem>>) target_semaphore(%run_scoped3A : memref<!tpu.dma_semaphore, #tpu.memory_space<semaphore_mem>>)
      %dma_wait3A = tpu.memref_slice %arg3[%mul3A_2] : memref<16384xi32, #tpu.memory_space<hbm>> -> memref<512xi32, #tpu.memory_space<hbm>>
      %dma_wait3A_9 = tpu.memref_slice %arg3[%mul3A_2] : memref<16384xi32, #tpu.memory_space<hbm>> -> memref<512xi32, #tpu.memory_space<hbm>>
      tpu.wait_dma2 semaphore(%run_scoped3A : memref<!tpu.dma_semaphore, #tpu.memory_space<semaphore_mem>>) src(%dma_wait3A_9 : memref<512xi32, #tpu.memory_space<hbm>>) dst(%arg10 : memref<512xi32, #tpu.memory_space<vmem>>)
      tpu.yield
    }) : () -> ()
    "tpu.region"() ({
      %run_scoped3A = tpu.sem_alloc : memref<!tpu.dma_semaphore, #tpu.memory_space<semaphore_mem>>
      %dma_start3A = tpu.memref_slice %arg4[%mul3A_2] : memref<16384xi32, #tpu.memory_space<hbm>> -> memref<512xi32, #tpu.memory_space<hbm>>
      %dma_start3A_8 = tpu.memref_slice %arg4[%mul3A_2] : memref<16384xi32, #tpu.memory_space<hbm>> -> memref<512xi32, #tpu.memory_space<hbm>>
      tpu.enqueue_dma source(%dma_start3A_8 : memref<512xi32, #tpu.memory_space<hbm>>) target(%arg11 : memref<512xi32, #tpu.memory_space<vmem>>) target_semaphore(%run_scoped3A : memref<!tpu.dma_semaphore, #tpu.memory_space<semaphore_mem>>)
      %dma_wait3A = tpu.memref_slice %arg4[%mul3A_2] : memref<16384xi32, #tpu.memory_space<hbm>> -> memref<512xi32, #tpu.memory_space<hbm>>
      %dma_wait3A_9 = tpu.memref_slice %arg4[%mul3A_2] : memref<16384xi32, #tpu.memory_space<hbm>> -> memref<512xi32, #tpu.memory_space<hbm>>
      tpu.wait_dma2 semaphore(%run_scoped3A : memref<!tpu.dma_semaphore, #tpu.memory_space<semaphore_mem>>) src(%dma_wait3A_9 : memref<512xi32, #tpu.memory_space<hbm>>) dst(%arg11 : memref<512xi32, #tpu.memory_space<vmem>>)
      tpu.yield
    }) : () -> ()
    %iota3A = tpu.iota {dimensions = array<i32: 0>} : vector<16xi32>
    %scan3A = arith.constant 0 : i32
    %scan3A_3 = arith.constant 0 : i32
    %scan3A_4 = arith.constant 2 : i32
    %scan3A_5 = arith.addi %scan3A_3, %scan3A_4 : i32
    %scan3A_6 = arith.constant 1 : i32
    scf.for %scan3A_8 = %scan3A_3 to %scan3A_5 step %scan3A_6  : i32 {
      %mul3A_9 = arith.constant 256 : i32
      %mul3A_10 = arith.muli %scan3A_8, %mul3A_9 : i32
      %multiple_of3A = tpu.assume_multiple %mul3A_10, 256 : i32
      %scan3A_11 = arith.constant 0 : i32
      %scan3A_12 = arith.constant 0 : i32
      %scan3A_13 = arith.constant 16 : i32
      %scan3A_14 = arith.addi %scan3A_12, %scan3A_13 : i32
      %scan3A_15 = arith.constant 1 : i32
      scf.for %scan3A_40 = %scan3A_12 to %scan3A_14 step %scan3A_15  : i32 {
        %mul3A_41 = arith.constant 16 : i32
        %mul3A_42 = arith.muli %scan3A_40, %mul3A_41 : i32
        %multiple_of3A_43 = tpu.assume_multiple %mul3A_42, 16 : i32
        %add3A_44 = arith.addi %multiple_of3A, %multiple_of3A_43 : i32
        %get3A = arith.index_cast %add3A_44 : i32 to index
        %get3A_45 = tpu.vector_load %arg9[%get3A] {strides = array<i32>} : memref<512xi32, #tpu.memory_space<vmem>>, vector<16xi32>,
        %add3A_46 = arith.addi %multiple_of3A, %multiple_of3A_43 : i32
        %get3A_47 = arith.index_cast %add3A_46 : i32 to index
        %get3A_48 = tpu.vector_load %arg10[%get3A_47] {strides = array<i32>} : memref<512xi32, #tpu.memory_space<vmem>>, vector<16xi32>,
        %add3A_49 = arith.addi %multiple_of3A, %multiple_of3A_43 : i32
        %get3A_50 = arith.index_cast %add3A_49 : i32 to index
        %get3A_51 = tpu.vector_load %arg11[%get3A_50] {strides = array<i32>} : memref<512xi32, #tpu.memory_space<vmem>>, vector<16xi32>,
        %add3A_52 = arith.constant 0 : i32
        %add3A_53 = arith.addi %multiple_of3A_43, %add3A_52 : i32
        %slice3A = vector.extract_strided_slice %get3A_45 {offsets = [0], sizes = [1], strides = [1]} : vector<16xi32> to vector<1xi32>
        %squeeze3A = vector.extract %slice3A[0] : i32 from vector<1xi32>
        %dma_start3A = arith.constant 0 : i32
        %dma_start3A_54 = tpu.memref_slice %arg12[%add3A_53, %dma_start3A] : memref<256x32xf32, #tpu.memory_space<vmem>> -> memref<1x32xf32, #tpu.memory_space<vmem>>
        %dma_start3A_55 = arith.constant 0 : i32
        %dma_start3A_56 = tpu.memref_slice %arg5[%squeeze3A, %dma_start3A_55] : memref<1000000x32xf32, #tpu.memory_space<hbm>> -> memref<1x32xf32, #tpu.memory_space<hbm>>
        %dma_start3A_57 = arith.constant 0 : i32
        %dma_start3A_58 = tpu.memref_slice %arg12[%add3A_53, %dma_start3A_57] : memref<256x32xf32, #tpu.memory_space<vmem>> -> memref<1x32xf32, #tpu.memory_space<vmem>>
        %dma_start3A_59 = arith.constant 0 : i32
        %dma_start3A_60 = tpu.memref_slice %arg5[%squeeze3A, %dma_start3A_59] : memref<1000000x32xf32, #tpu.memory_space<hbm>> -> memref<1x32xf32, #tpu.memory_space<hbm>>
        tpu.enqueue_dma source(%dma_start3A_60 : memref<1x32xf32, #tpu.memory_space<hbm>>) target(%dma_start3A_58 : memref<1x32xf32, #tpu.memory_space<vmem>>) target_semaphore(%arg17 : memref<!tpu.dma_semaphore, #tpu.memory_space<semaphore_mem>>)
        %slice3A_61 = vector.extract_strided_slice %get3A_48 {offsets = [0], sizes = [1], strides = [1]} : vector<16xi32> to vector<1xi32>
        %squeeze3A_62 = vector.extract %slice3A_61[0] : i32 from vector<1xi32>
        %dma_start3A_63 = arith.constant 0 : i32
        %dma_start3A_64 = tpu.memref_slice %arg13[%add3A_53, %dma_start3A_63] : memref<256x32xf32, #tpu.memory_space<vmem>> -> memref<1x32xf32, #tpu.memory_space<vmem>>
        %dma_start3A_65 = arith.constant 0 : i32
        %dma_start3A_66 = tpu.memref_slice %arg6[%squeeze3A_62, %dma_start3A_65] : memref<100000x32xf32, #tpu.memory_space<hbm>> -> memref<1x32xf32, #tpu.memory_space<hbm>>
        %dma_start3A_67 = arith.constant 0 : i32
        %dma_start3A_68 = tpu.memref_slice %arg13[%add3A_53, %dma_start3A_67] : memref<256x32xf32, #tpu.memory_space<vmem>> -> memref<1x32xf32, #tpu.memory_space<vmem>>
        %dma_start3A_69 = arith.constant 0 : i32
        %dma_start3A_70 = tpu.memref_slice %arg6[%squeeze3A_62, %dma_start3A_69] : memref<100000x32xf32, #tpu.memory_space<hbm>> -> memref<1x32xf32, #tpu.memory_space<hbm>>
        tpu.enqueue_dma source(%dma_start3A_70 : memref<1x32xf32, #tpu.memory_space<hbm>>) target(%dma_start3A_68 : memref<1x32xf32, #tpu.memory_space<vmem>>) target_semaphore(%arg17 : memref<!tpu.dma_semaphore, #tpu.memory_space<semaphore_mem>>)
        %slice3A_71 = vector.extract_strided_slice %get3A_51 {offsets = [0], sizes = [1], strides = [1]} : vector<16xi32> to vector<1xi32>
        %squeeze3A_72 = vector.extract %slice3A_71[0] : i32 from vector<1xi32>
        %dma_start3A_73 = arith.constant 0 : i32
        %dma_start3A_74 = tpu.memref_slice %arg14[%add3A_53, %dma_start3A_73] : memref<256x32xf32, #tpu.memory_space<vmem>> -> memref<1x32xf32, #tpu.memory_space<vmem>>
        %dma_start3A_75 = arith.constant 0 : i32
        %dma_start3A_76 = tpu.memref_slice %arg6[%squeeze3A_72, %dma_start3A_75] : memref<100000x32xf32, #tpu.memory_space<hbm>> -> memref<1x32xf32, #tpu.memory_space<hbm>>
        %dma_start3A_77 = arith.constant 0 : i32
        %dma_start3A_78 = tpu.memref_slice %arg14[%add3A_53, %dma_start3A_77] : memref<256x32xf32, #tpu.memory_space<vmem>> -> memref<1x32xf32, #tpu.memory_space<vmem>>
        %dma_start3A_79 = arith.constant 0 : i32
        %dma_start3A_80 = tpu.memref_slice %arg6[%squeeze3A_72, %dma_start3A_79] : memref<100000x32xf32, #tpu.memory_space<hbm>> -> memref<1x32xf32, #tpu.memory_space<hbm>>
        tpu.enqueue_dma source(%dma_start3A_80 : memref<1x32xf32, #tpu.memory_space<hbm>>) target(%dma_start3A_78 : memref<1x32xf32, #tpu.memory_space<vmem>>) target_semaphore(%arg17 : memref<!tpu.dma_semaphore, #tpu.memory_space<semaphore_mem>>)
        %add3A_81 = arith.constant 1 : i32
        %add3A_82 = arith.addi %multiple_of3A_43, %add3A_81 : i32
        %slice3A_83 = vector.extract_strided_slice %get3A_45 {offsets = [1], sizes = [1], strides = [1]} : vector<16xi32> to vector<1xi32>
        %squeeze3A_84 = vector.extract %slice3A_83[0] : i32 from vector<1xi32>
        %dma_start3A_85 = arith.constant 0 : i32
        %dma_start3A_86 = tpu.memref_slice %arg12[%add3A_82, %dma_start3A_85] : memref<256x32xf32, #tpu.memory_space<vmem>> -> memref<1x32xf32, #tpu.memory_space<vmem>>
        %dma_start3A_87 = arith.constant 0 : i32
        %dma_start3A_88 = tpu.memref_slice %arg5[%squeeze3A_84, %dma_start3A_87] : memref<1000000x32xf32, #tpu.memory_space<hbm>> -> memref<1x32xf32, #tpu.memory_space<hbm>>
        %dma_start3A_89 = arith.constant 0 : i32
        %dma_start3A_90 = tpu.memref_slice %arg12[%add3A_82, %dma_start3A_89] : memref<256x32xf32, #tpu.memory_space<vmem>> -> memref<1x32xf32, #tpu.memory_space<vmem>>
        %dma_start3A_91 = arith.constant 0 : i32
        %dma_start3A_92 = tpu.memref_slice %arg5[%squeeze3A_84, %dma_start3A_91] : memref<1000000x32xf32, #tpu.memory_space<hbm>> -> memref<1x32xf32, #tpu.memory_space<hbm>>
        tpu.enqueue_dma source(%dma_start3A_92 : memref<1x32xf32, #tpu.memory_space<hbm>>) target(%dma_start3A_90 : memref<1x32xf32, #tpu.memory_space<vmem>>) target_semaphore(%arg17 : memref<!tpu.dma_semaphore, #tpu.memory_space<semaphore_mem>>)
        %slice3A_93 = vector.extract_strided_slice %get3A_48 {offsets = [1], sizes = [1], strides = [1]} : vector<16xi32> to vector<1xi32>
        %squeeze3A_94 = vector.extract %slice3A_93[0] : i32 from vector<1xi32>
        %dma_start3A_95 = arith.constant 0 : i32
        %dma_start3A_96 = tpu.memref_slice %arg13[%add3A_82, %dma_start3A_95] : memref<256x32xf32, #tpu.memory_space<vmem>> -> memref<1x32xf32, #tpu.memory_space<vmem>>
        %dma_start3A_97 = arith.constant 0 : i32
        %dma_start3A_98 = tpu.memref_slice %arg6[%squeeze3A_94, %dma_start3A_97] : memref<100000x32xf32, #tpu.memory_space<hbm>> -> memref<1x32xf32, #tpu.memory_space<hbm>>
        %dma_start3A_99 = arith.constant 0 : i32
        %dma_start3A_100 = tpu.memref_slice %arg13[%add3A_82, %dma_start3A_99] : memref<256x32xf32, #tpu.memory_space<vmem>> -> memref<1x32xf32, #tpu.memory_space<vmem>>
        %dma_start3A_101 = arith.constant 0 : i32
        %dma_start3A_102 = tpu.memref_slice %arg6[%squeeze3A_94, %dma_start3A_101] : memref<100000x32xf32, #tpu.memory_space<hbm>> -> memref<1x32xf32, #tpu.memory_space<hbm>>
        tpu.enqueue_dma source(%dma_start3A_102 : memref<1x32xf32, #tpu.memory_space<hbm>>) target(%dma_start3A_100 : memref<1x32xf32, #tpu.memory_space<vmem>>) target_semaphore(%arg17 : memref<!tpu.dma_semaphore, #tpu.memory_space<semaphore_mem>>)
        %slice3A_103 = vector.extract_strided_slice %get3A_51 {offsets = [1], sizes = [1], strides = [1]} : vector<16xi32> to vector<1xi32>
        %squeeze3A_104 = vector.extract %slice3A_103[0] : i32 from vector<1xi32>
        %dma_start3A_105 = arith.constant 0 : i32
        %dma_start3A_106 = tpu.memref_slice %arg14[%add3A_82, %dma_start3A_105] : memref<256x32xf32, #tpu.memory_space<vmem>> -> memref<1x32xf32, #tpu.memory_space<vmem>>
        %dma_start3A_107 = arith.constant 0 : i32
        %dma_start3A_108 = tpu.memref_slice %arg6[%squeeze3A_104, %dma_start3A_107] : memref<100000x32xf32, #tpu.memory_space<hbm>> -> memref<1x32xf32, #tpu.memory_space<hbm>>
        %dma_start3A_109 = arith.constant 0 : i32
        %dma_start3A_110 = tpu.memref_slice %arg14[%add3A_82, %dma_start3A_109] : memref<256x32xf32, #tpu.memory_space<vmem>> -> memref<1x32xf32, #tpu.memory_space<vmem>>
        %dma_start3A_111 = arith.constant 0 : i32
        %dma_start3A_112 = tpu.memref_slice %arg6[%squeeze3A_104, %dma_start3A_111] : memref<100000x32xf32, #tpu.memory_space<hbm>> -> memref<1x32xf32, #tpu.memory_space<hbm>>
        tpu.enqueue_dma source(%dma_start3A_112 : memref<1x32xf32, #tpu.memory_space<hbm>>) target(%dma_start3A_110 : memref<1x32xf32, #tpu.memory_space<vmem>>) target_semaphore(%arg17 : memref<!tpu.dma_semaphore, #tpu.memory_space<semaphore_mem>>)
        %add3A_113 = arith.constant 2 : i32
        %add3A_114 = arith.addi %multiple_of3A_43, %add3A_113 : i32
        %slice3A_115 = vector.extract_strided_slice %get3A_45 {offsets = [2], sizes = [1], strides = [1]} : vector<16xi32> to vector<1xi32>
        %squeeze3A_116 = vector.extract %slice3A_115[0] : i32 from vector<1xi32>
        %dma_start3A_117 = arith.constant 0 : i32
        %dma_start3A_118 = tpu.memref_slice %arg12[%add3A_114, %dma_start3A_117] : memref<256x32xf32, #tpu.memory_space<vmem>> -> memref<1x32xf32, #tpu.memory_space<vmem>>
        %dma_start3A_119 = arith.constant 0 : i32
        %dma_start3A_120 = tpu.memref_slice %arg5[%squeeze3A_116, %dma_start3A_119] : memref<1000000x32xf32, #tpu.memory_space<hbm>> -> memref<1x32xf32, #tpu.memory_space<hbm>>
        %dma_start3A_121 = arith.constant 0 : i32
        %dma_start3A_122 = tpu.memref_slice %arg12[%add3A_114, %dma_start3A_121] : memref<256x32xf32, #tpu.memory_space<vmem>> -> memref<1x32xf32, #tpu.memory_space<vmem>>
        %dma_start3A_123 = arith.constant 0 : i32
        %dma_start3A_124 = tpu.memref_slice %arg5[%squeeze3A_116, %dma_start3A_123] : memref<1000000x32xf32, #tpu.memory_space<hbm>> -> memref<1x32xf32, #tpu.memory_space<hbm>>
        tpu.enqueue_dma source(%dma_start3A_124 : memref<1x32xf32, #tpu.memory_space<hbm>>) target(%dma_start3A_122 : memref<1x32xf32, #tpu.memory_space<vmem>>) target_semaphore(%arg17 : memref<!tpu.dma_semaphore, #tpu.memory_space<semaphore_mem>>)
        %slice3A_125 = vector.extract_strided_slice %get3A_48 {offsets = [2], sizes = [1], strides = [1]} : vector<16xi32> to vector<1xi32>
        %squeeze3A_126 = vector.extract %slice3A_125[0] : i32 from vector<1xi32>
        %dma_start3A_127 = arith.constant 0 : i32
        %dma_start3A_128 = tpu.memref_slice %arg13[%add3A_114, %dma_start3A_127] : memref<256x32xf32, #tpu.memory_space<vmem>> -> memref<1x32xf32, #tpu.memory_space<vmem>>
        %dma_start3A_129 = arith.constant 0 : i32
        %dma_start3A_130 = tpu.memref_slice %arg6[%squeeze3A_126, %dma_start3A_129] : memref<100000x32xf32, #tpu.memory_space<hbm>> -> memref<1x32xf32, #tpu.memory_space<hbm>>
        %dma_start3A_131 = arith.constant 0 : i32
        %dma_start3A_132 = tpu.memref_slice %arg13[%add3A_114, %dma_start3A_131] : memref<256x32xf32, #tpu.memory_space<vmem>> -> memref<1x32xf32, #tpu.memory_space<vmem>>
        %dma_start3A_133 = arith.constant 0 : i32
        %dma_start3A_134 = tpu.memref_slice %arg6[%squeeze3A_126, %dma_start3A_133] : memref<100000x32xf32, #tpu.memory_space<hbm>> -> memref<1x32xf32, #tpu.memory_space<hbm>>
        tpu.enqueue_dma source(%dma_start3A_134 : memref<1x32xf32, #tpu.memory_space<hbm>>) target(%dma_start3A_132 : memref<1x32xf32, #tpu.memory_space<vmem>>) target_semaphore(%arg17 : memref<!tpu.dma_semaphore, #tpu.memory_space<semaphore_mem>>)
        %slice3A_135 = vector.extract_strided_slice %get3A_51 {offsets = [2], sizes = [1], strides = [1]} : vector<16xi32> to vector<1xi32>
        %squeeze3A_136 = vector.extract %slice3A_135[0] : i32 from vector<1xi32>
        %dma_start3A_137 = arith.constant 0 : i32
        %dma_start3A_138 = tpu.memref_slice %arg14[%add3A_114, %dma_start3A_137] : memref<256x32xf32, #tpu.memory_space<vmem>> -> memref<1x32xf32, #tpu.memory_space<vmem>>
        %dma_start3A_139 = arith.constant 0 : i32
        %dma_start3A_140 = tpu.memref_slice %arg6[%squeeze3A_136, %dma_start3A_139] : memref<100000x32xf32, #tpu.memory_space<hbm>> -> memref<1x32xf32, #tpu.memory_space<hbm>>
        %dma_start3A_141 = arith.constant 0 : i32
        %dma_start3A_142 = tpu.memref_slice %arg14[%add3A_114, %dma_start3A_141] : memref<256x32xf32, #tpu.memory_space<vmem>> -> memref<1x32xf32, #tpu.memory_space<vmem>>
        %dma_start3A_143 = arith.constant 0 : i32
        %dma_start3A_144 = tpu.memref_slice %arg6[%squeeze3A_136, %dma_start3A_143] : memref<100000x32xf32, #tpu.memory_space<hbm>> -> memref<1x32xf32, #tpu.memory_space<hbm>>
        tpu.enqueue_dma source(%dma_start3A_144 : memref<1x32xf32, #tpu.memory_space<hbm>>) target(%dma_start3A_142 : memref<1x32xf32, #tpu.memory_space<vmem>>) target_semaphore(%arg17 : memref<!tpu.dma_semaphore, #tpu.memory_space<semaphore_mem>>)
        %add3A_145 = arith.constant 3 : i32
        %add3A_146 = arith.addi %multiple_of3A_43, %add3A_145 : i32
        %slice3A_147 = vector.extract_strided_slice %get3A_45 {offsets = [3], sizes = [1], strides = [1]} : vector<16xi32> to vector<1xi32>
        %squeeze3A_148 = vector.extract %slice3A_147[0] : i32 from vector<1xi32>
        %dma_start3A_149 = arith.constant 0 : i32
        %dma_start3A_150 = tpu.memref_slice %arg12[%add3A_146, %dma_start3A_149] : memref<256x32xf32, #tpu.memory_space<vmem>> -> memref<1x32xf32, #tpu.memory_space<vmem>>
        %dma_start3A_151 = arith.constant 0 : i32
        %dma_start3A_152 = tpu.memref_slice %arg5[%squeeze3A_148, %dma_start3A_151] : memref<1000000x32xf32, #tpu.memory_space<hbm>> -> memref<1x32xf32, #tpu.memory_space<hbm>>
        %dma_start3A_153 = arith.constant 0 : i32
        %dma_start3A_154 = tpu.memref_slice %arg12[%add3A_146, %dma_start3A_153] : memref<256x32xf32, #tpu.memory_space<vmem>> -> memref<1x32xf32, #tpu.memory_space<vmem>>
        %dma_start3A_155 = arith.constant 0 : i32
        %dma_start3A_156 = tpu.memref_slice %arg5[%squeeze3A_148, %dma_start3A_155] : memref<1000000x32xf32, #tpu.memory_space<hbm>> -> memref<1x32xf32, #tpu.memory_space<hbm>>
        tpu.enqueue_dma source(%dma_start3A_156 : memref<1x32xf32, #tpu.memory_space<hbm>>) target(%dma_start3A_154 : memref<1x32xf32, #tpu.memory_space<vmem>>) target_semaphore(%arg17 : memref<!tpu.dma_semaphore, #tpu.memory_space<semaphore_mem>>)
        %slice3A_157 = vector.extract_strided_slice %get3A_48 {offsets = [3], sizes = [1], strides = [1]} : vector<16xi32> to vector<1xi32>
        %squeeze3A_158 = vector.extract %slice3A_157[0] : i32 from vector<1xi32>
        %dma_start3A_159 = arith.constant 0 : i32
        %dma_start3A_160 = tpu.memref_slice %arg13[%add3A_146, %dma_start3A_159] : memref<256x32xf32, #tpu.memory_space<vmem>> -> memref<1x32xf32, #tpu.memory_space<vmem>>
        %dma_start3A_161 = arith.constant 0 : i32
        %dma_start3A_162 = tpu.memref_slice %arg6[%squeeze3A_158, %dma_start3A_161] : memref<100000x32xf32, #tpu.memory_space<hbm>> -> memref<1x32xf32, #tpu.memory_space<hbm>>
        %dma_start3A_163 = arith.constant 0 : i32
        %dma_start3A_164 = tpu.memref_slice %arg13[%add3A_146, %dma_start3A_163] : memref<256x32xf32, #tpu.memory_space<vmem>> -> memref<1x32xf32, #tpu.memory_space<vmem>>
        %dma_start3A_165 = arith.constant 0 : i32
        %dma_start3A_166 = tpu.memref_slice %arg6[%squeeze3A_158, %dma_start3A_165] : memref<100000x32xf32, #tpu.memory_space<hbm>> -> memref<1x32xf32, #tpu.memory_space<hbm>>
        tpu.enqueue_dma source(%dma_start3A_166 : memref<1x32xf32, #tpu.memory_space<hbm>>) target(%dma_start3A_164 : memref<1x32xf32, #tpu.memory_space<vmem>>) target_semaphore(%arg17 : memref<!tpu.dma_semaphore, #tpu.memory_space<semaphore_mem>>)
        %slice3A_167 = vector.extract_strided_slice %get3A_51 {offsets = [3], sizes = [1], strides = [1]} : vector<16xi32> to vector<1xi32>
        %squeeze3A_168 = vector.extract %slice3A_167[0] : i32 from vector<1xi32>
        %dma_start3A_169 = arith.constant 0 : i32
        %dma_start3A_170 = tpu.memref_slice %arg14[%add3A_146, %dma_start3A_169] : memref<256x32xf32, #tpu.memory_space<vmem>> -> memref<1x32xf32, #tpu.memory_space<vmem>>
        %dma_start3A_171 = arith.constant 0 : i32
        %dma_start3A_172 = tpu.memref_slice %arg6[%squeeze3A_168, %dma_start3A_171] : memref<100000x32xf32, #tpu.memory_space<hbm>> -> memref<1x32xf32, #tpu.memory_space<hbm>>
        %dma_start3A_173 = arith.constant 0 : i32
        %dma_start3A_174 = tpu.memref_slice %arg14[%add3A_146, %dma_start3A_173] : memref<256x32xf32, #tpu.memory_space<vmem>> -> memref<1x32xf32, #tpu.memory_space<vmem>>
        %dma_start3A_175 = arith.constant 0 : i32
        %dma_start3A_176 = tpu.memref_slice %arg6[%squeeze3A_168, %dma_start3A_175] : memref<100000x32xf32, #tpu.memory_space<hbm>> -> memref<1x32xf32, #tpu.memory_space<hbm>>
        tpu.enqueue_dma source(%dma_start3A_176 : memref<1x32xf32, #tpu.memory_space<hbm>>) target(%dma_start3A_174 : memref<1x32xf32, #tpu.memory_space<vmem>>) target_semaphore(%arg17 : memref<!tpu.dma_semaphore, #tpu.memory_space<semaphore_mem>>)
        %add3A_177 = arith.constant 4 : i32
        %add3A_178 = arith.addi %multiple_of3A_43, %add3A_177 : i32
        %slice3A_179 = vector.extract_strided_slice %get3A_45 {offsets = [4], sizes = [1], strides = [1]} : vector<16xi32> to vector<1xi32>
        %squeeze3A_180 = vector.extract %slice3A_179[0] : i32 from vector<1xi32>
        %dma_start3A_181 = arith.constant 0 : i32
        %dma_start3A_182 = tpu.memref_slice %arg12[%add3A_178, %dma_start3A_181] : memref<256x32xf32, #tpu.memory_space<vmem>> -> memref<1x32xf32, #tpu.memory_space<vmem>>
        %dma_start3A_183 = arith.constant 0 : i32
        %dma_start3A_184 = tpu.memref_slice %arg5[%squeeze3A_180, %dma_start3A_183] : memref<1000000x32xf32, #tpu.memory_space<hbm>> -> memref<1x32xf32, #tpu.memory_space<hbm>>
        %dma_start3A_185 = arith.constant 0 : i32
        %dma_start3A_186 = tpu.memref_slice %arg12[%add3A_178, %dma_start3A_185] : memref<256x32xf32, #tpu.memory_space<vmem>> -> memref<1x32xf32, #tpu.memory_space<vmem>>
        %dma_start3A_187 = arith.constant 0 : i32
        %dma_start3A_188 = tpu.memref_slice %arg5[%squeeze3A_180, %dma_start3A_187] : memref<1000000x32xf32, #tpu.memory_space<hbm>> -> memref<1x32xf32, #tpu.memory_space<hbm>>
        tpu.enqueue_dma source(%dma_start3A_188 : memref<1x32xf32, #tpu.memory_space<hbm>>) target(%dma_start3A_186 : memref<1x32xf32, #tpu.memory_space<vmem>>) target_semaphore(%arg17 : memref<!tpu.dma_semaphore, #tpu.memory_space<semaphore_mem>>)
        %slice3A_189 = vector.extract_strided_slice %get3A_48 {offsets = [4], sizes = [1], strides = [1]} : vector<16xi32> to vector<1xi32>
        %squeeze3A_190 = vector.extract %slice3A_189[0] : i32 from vector<1xi32>
        %dma_start3A_191 = arith.constant 0 : i32
        %dma_start3A_192 = tpu.memref_slice %arg13[%add3A_178, %dma_start3A_191] : memref<256x32xf32, #tpu.memory_space<vmem>> -> memref<1x32xf32, #tpu.memory_space<vmem>>
        %dma_start3A_193 = arith.constant 0 : i32
        %dma_start3A_194 = tpu.memref_slice %arg6[%squeeze3A_190, %dma_start3A_193] : memref<100000x32xf32, #tpu.memory_space<hbm>> -> memref<1x32xf32, #tpu.memory_space<hbm>>
        %dma_start3A_195 = arith.constant 0 : i32
        %dma_start3A_196 = tpu.memref_slice %arg13[%add3A_178, %dma_start3A_195] : memref<256x32xf32, #tpu.memory_space<vmem>> -> memref<1x32xf32, #tpu.memory_space<vmem>>
        %dma_start3A_197 = arith.constant 0 : i32
        %dma_start3A_198 = tpu.memref_slice %arg6[%squeeze3A_190, %dma_start3A_197] : memref<100000x32xf32, #tpu.memory_space<hbm>> -> memref<1x32xf32, #tpu.memory_space<hbm>>
        tpu.enqueue_dma source(%dma_start3A_198 : memref<1x32xf32, #tpu.memory_space<hbm>>) target(%dma_start3A_196 : memref<1x32xf32, #tpu.memory_space<vmem>>) target_semaphore(%arg17 : memref<!tpu.dma_semaphore, #tpu.memory_space<semaphore_mem>>)
        %slice3A_199 = vector.extract_strided_slice %get3A_51 {offsets = [4], sizes = [1], strides = [1]} : vector<16xi32> to vector<1xi32>
        %squeeze3A_200 = vector.extract %slice3A_199[0] : i32 from vector<1xi32>
        %dma_start3A_201 = arith.constant 0 : i32
        %dma_start3A_202 = tpu.memref_slice %arg14[%add3A_178, %dma_start3A_201] : memref<256x32xf32, #tpu.memory_space<vmem>> -> memref<1x32xf32, #tpu.memory_space<vmem>>
        %dma_start3A_203 = arith.constant 0 : i32
        %dma_start3A_204 = tpu.memref_slice %arg6[%squeeze3A_200, %dma_start3A_203] : memref<100000x32xf32, #tpu.memory_space<hbm>> -> memref<1x32xf32, #tpu.memory_space<hbm>>
        %dma_start3A_205 = arith.constant 0 : i32
        %dma_start3A_206 = tpu.memref_slice %arg14[%add3A_178, %dma_start3A_205] : memref<256x32xf32, #tpu.memory_space<vmem>> -> memref<1x32xf32, #tpu.memory_space<vmem>>
        %dma_start3A_207 = arith.constant 0 : i32
        %dma_start3A_208 = tpu.memref_slice %arg6[%squeeze3A_200, %dma_start3A_207] : memref<100000x32xf32, #tpu.memory_space<hbm>> -> memref<1x32xf32, #tpu.memory_space<hbm>>
        tpu.enqueue_dma source(%dma_start3A_208 : memref<1x32xf32, #tpu.memory_space<hbm>>) target(%dma_start3A_206 : memref<1x32xf32, #tpu.memory_space<vmem>>) target_semaphore(%arg17 : memref<!tpu.dma_semaphore, #tpu.memory_space<semaphore_mem>>)
        %add3A_209 = arith.constant 5 : i32
        %add3A_210 = arith.addi %multiple_of3A_43, %add3A_209 : i32
        %slice3A_211 = vector.extract_strided_slice %get3A_45 {offsets = [5], sizes = [1], strides = [1]} : vector<16xi32> to vector<1xi32>
        %squeeze3A_212 = vector.extract %slice3A_211[0] : i32 from vector<1xi32>
        %dma_start3A_213 = arith.constant 0 : i32
        %dma_start3A_214 = tpu.memref_slice %arg12[%add3A_210, %dma_start3A_213] : memref<256x32xf32, #tpu.memory_space<vmem>> -> memref<1x32xf32, #tpu.memory_space<vmem>>
        %dma_start3A_215 = arith.constant 0 : i32
        %dma_start3A_216 = tpu.memref_slice %arg5[%squeeze3A_212, %dma_start3A_215] : memref<1000000x32xf32, #tpu.memory_space<hbm>> -> memref<1x32xf32, #tpu.memory_space<hbm>>
        %dma_start3A_217 = arith.constant 0 : i32
        %dma_start3A_218 = tpu.memref_slice %arg12[%add3A_210, %dma_start3A_217] : memref<256x32xf32, #tpu.memory_space<vmem>> -> memref<1x32xf32, #tpu.memory_space<vmem>>
        %dma_start3A_219 = arith.constant 0 : i32
        %dma_start3A_220 = tpu.memref_slice %arg5[%squeeze3A_212, %dma_start3A_219] : memref<1000000x32xf32, #tpu.memory_space<hbm>> -> memref<1x32xf32, #tpu.memory_space<hbm>>
        tpu.enqueue_dma source(%dma_start3A_220 : memref<1x32xf32, #tpu.memory_space<hbm>>) target(%dma_start3A_218 : memref<1x32xf32, #tpu.memory_space<vmem>>) target_semaphore(%arg17 : memref<!tpu.dma_semaphore, #tpu.memory_space<semaphore_mem>>)
        %slice3A_221 = vector.extract_strided_slice %get3A_48 {offsets = [5], sizes = [1], strides = [1]} : vector<16xi32> to vector<1xi32>
        %squeeze3A_222 = vector.extract %slice3A_221[0] : i32 from vector<1xi32>
        %dma_start3A_223 = arith.constant 0 : i32
        %dma_start3A_224 = tpu.memref_slice %arg13[%add3A_210, %dma_start3A_223] : memref<256x32xf32, #tpu.memory_space<vmem>> -> memref<1x32xf32, #tpu.memory_space<vmem>>
        %dma_start3A_225 = arith.constant 0 : i32
        %dma_start3A_226 = tpu.memref_slice %arg6[%squeeze3A_222, %dma_start3A_225] : memref<100000x32xf32, #tpu.memory_space<hbm>> -> memref<1x32xf32, #tpu.memory_space<hbm>>
        %dma_start3A_227 = arith.constant 0 : i32
        %dma_start3A_228 = tpu.memref_slice %arg13[%add3A_210, %dma_start3A_227] : memref<256x32xf32, #tpu.memory_space<vmem>> -> memref<1x32xf32, #tpu.memory_space<vmem>>
        %dma_start3A_229 = arith.constant 0 : i32
        %dma_start3A_230 = tpu.memref_slice %arg6[%squeeze3A_222, %dma_start3A_229] : memref<100000x32xf32, #tpu.memory_space<hbm>> -> memref<1x32xf32, #tpu.memory_space<hbm>>
        tpu.enqueue_dma source(%dma_start3A_230 : memref<1x32xf32, #tpu.memory_space<hbm>>) target(%dma_start3A_228 : memref<1x32xf32, #tpu.memory_space<vmem>>) target_semaphore(%arg17 : memref<!tpu.dma_semaphore, #tpu.memory_space<semaphore_mem>>)
        %slice3A_231 = vector.extract_strided_slice %get3A_51 {offsets = [5], sizes = [1], strides = [1]} : vector<16xi32> to vector<1xi32>
        %squeeze3A_232 = vector.extract %slice3A_231[0] : i32 from vector<1xi32>
        %dma_start3A_233 = arith.constant 0 : i32
        %dma_start3A_234 = tpu.memref_slice %arg14[%add3A_210, %dma_start3A_233] : memref<256x32xf32, #tpu.memory_space<vmem>> -> memref<1x32xf32, #tpu.memory_space<vmem>>
        %dma_start3A_235 = arith.constant 0 : i32
        %dma_start3A_236 = tpu.memref_slice %arg6[%squeeze3A_232, %dma_start3A_235] : memref<100000x32xf32, #tpu.memory_space<hbm>> -> memref<1x32xf32, #tpu.memory_space<hbm>>
        %dma_start3A_237 = arith.constant 0 : i32
        %dma_start3A_238 = tpu.memref_slice %arg14[%add3A_210, %dma_start3A_237] : memref<256x32xf32, #tpu.memory_space<vmem>> -> memref<1x32xf32, #tpu.memory_space<vmem>>
        %dma_start3A_239 = arith.constant 0 : i32
        %dma_start3A_240 = tpu.memref_slice %arg6[%squeeze3A_232, %dma_start3A_239] : memref<100000x32xf32, #tpu.memory_space<hbm>> -> memref<1x32xf32, #tpu.memory_space<hbm>>
        tpu.enqueue_dma source(%dma_start3A_240 : memref<1x32xf32, #tpu.memory_space<hbm>>) target(%dma_start3A_238 : memref<1x32xf32, #tpu.memory_space<vmem>>) target_semaphore(%arg17 : memref<!tpu.dma_semaphore, #tpu.memory_space<semaphore_mem>>)
        %add3A_241 = arith.constant 6 : i32
        %add3A_242 = arith.addi %multiple_of3A_43, %add3A_241 : i32
        %slice3A_243 = vector.extract_strided_slice %get3A_45 {offsets = [6], sizes = [1], strides = [1]} : vector<16xi32> to vector<1xi32>
        %squeeze3A_244 = vector.extract %slice3A_243[0] : i32 from vector<1xi32>
        %dma_start3A_245 = arith.constant 0 : i32
        %dma_start3A_246 = tpu.memref_slice %arg12[%add3A_242, %dma_start3A_245] : memref<256x32xf32, #tpu.memory_space<vmem>> -> memref<1x32xf32, #tpu.memory_space<vmem>>
        %dma_start3A_247 = arith.constant 0 : i32
        %dma_start3A_248 = tpu.memref_slice %arg5[%squeeze3A_244, %dma_start3A_247] : memref<1000000x32xf32, #tpu.memory_space<hbm>> -> memref<1x32xf32, #tpu.memory_space<hbm>>
        %dma_start3A_249 = arith.constant 0 : i32
        %dma_start3A_250 = tpu.memref_slice %arg12[%add3A_242, %dma_start3A_249] : memref<256x32xf32, #tpu.memory_space<vmem>> -> memref<1x32xf32, #tpu.memory_space<vmem>>
        %dma_start3A_251 = arith.constant 0 : i32
        %dma_start3A_252 = tpu.memref_slice %arg5[%squeeze3A_244, %dma_start3A_251] : memref<1000000x32xf32, #tpu.memory_space<hbm>> -> memref<1x32xf32, #tpu.memory_space<hbm>>
        tpu.enqueue_dma source(%dma_start3A_252 : memref<1x32xf32, #tpu.memory_space<hbm>>) target(%dma_start3A_250 : memref<1x32xf32, #tpu.memory_space<vmem>>) target_semaphore(%arg17 : memref<!tpu.dma_semaphore, #tpu.memory_space<semaphore_mem>>)
        %slice3A_253 = vector.extract_strided_slice %get3A_48 {offsets = [6], sizes = [1], strides = [1]} : vector<16xi32> to vector<1xi32>
        %squeeze3A_254 = vector.extract %slice3A_253[0] : i32 from vector<1xi32>
        %dma_start3A_255 = arith.constant 0 : i32
        %dma_start3A_256 = tpu.memref_slice %arg13[%add3A_242, %dma_start3A_255] : memref<256x32xf32, #tpu.memory_space<vmem>> -> memref<1x32xf32, #tpu.memory_space<vmem>>
        %dma_start3A_257 = arith.constant 0 : i32
        %dma_start3A_258 = tpu.memref_slice %arg6[%squeeze3A_254, %dma_start3A_257] : memref<100000x32xf32, #tpu.memory_space<hbm>> -> memref<1x32xf32, #tpu.memory_space<hbm>>
        %dma_start3A_259 = arith.constant 0 : i32
        %dma_start3A_260 = tpu.memref_slice %arg13[%add3A_242, %dma_start3A_259] : memref<256x32xf32, #tpu.memory_space<vmem>> -> memref<1x32xf32, #tpu.memory_space<vmem>>
        %dma_start3A_261 = arith.constant 0 : i32
        %dma_start3A_262 = tpu.memref_slice %arg6[%squeeze3A_254, %dma_start3A_261] : memref<100000x32xf32, #tpu.memory_space<hbm>> -> memref<1x32xf32, #tpu.memory_space<hbm>>
        tpu.enqueue_dma source(%dma_start3A_262 : memref<1x32xf32, #tpu.memory_space<hbm>>) target(%dma_start3A_260 : memref<1x32xf32, #tpu.memory_space<vmem>>) target_semaphore(%arg17 : memref<!tpu.dma_semaphore, #tpu.memory_space<semaphore_mem>>)
        %slice3A_263 = vector.extract_strided_slice %get3A_51 {offsets = [6], sizes = [1], strides = [1]} : vector<16xi32> to vector<1xi32>
        %squeeze3A_264 = vector.extract %slice3A_263[0] : i32 from vector<1xi32>
        %dma_start3A_265 = arith.constant 0 : i32
        %dma_start3A_266 = tpu.memref_slice %arg14[%add3A_242, %dma_start3A_265] : memref<256x32xf32, #tpu.memory_space<vmem>> -> memref<1x32xf32, #tpu.memory_space<vmem>>
        %dma_start3A_267 = arith.constant 0 : i32
        %dma_start3A_268 = tpu.memref_slice %arg6[%squeeze3A_264, %dma_start3A_267] : memref<100000x32xf32, #tpu.memory_space<hbm>> -> memref<1x32xf32, #tpu.memory_space<hbm>>
        %dma_start3A_269 = arith.constant 0 : i32
        %dma_start3A_270 = tpu.memref_slice %arg14[%add3A_242, %dma_start3A_269] : memref<256x32xf32, #tpu.memory_space<vmem>> -> memref<1x32xf32, #tpu.memory_space<vmem>>
        %dma_start3A_271 = arith.constant 0 : i32
        %dma_start3A_272 = tpu.memref_slice %arg6[%squeeze3A_264, %dma_start3A_271] : memref<100000x32xf32, #tpu.memory_space<hbm>> -> memref<1x32xf32, #tpu.memory_space<hbm>>
        tpu.enqueue_dma source(%dma_start3A_272 : memref<1x32xf32, #tpu.memory_space<hbm>>) target(%dma_start3A_270 : memref<1x32xf32, #tpu.memory_space<vmem>>) target_semaphore(%arg17 : memref<!tpu.dma_semaphore, #tpu.memory_space<semaphore_mem>>)
        %add3A_273 = arith.constant 7 : i32
        %add3A_274 = arith.addi %multiple_of3A_43, %add3A_273 : i32
        %slice3A_275 = vector.extract_strided_slice %get3A_45 {offsets = [7], sizes = [1], strides = [1]} : vector<16xi32> to vector<1xi32>
        %squeeze3A_276 = vector.extract %slice3A_275[0] : i32 from vector<1xi32>
        %dma_start3A_277 = arith.constant 0 : i32
        %dma_start3A_278 = tpu.memref_slice %arg12[%add3A_274, %dma_start3A_277] : memref<256x32xf32, #tpu.memory_space<vmem>> -> memref<1x32xf32, #tpu.memory_space<vmem>>
        %dma_start3A_279 = arith.constant 0 : i32
        %dma_start3A_280 = tpu.memref_slice %arg5[%squeeze3A_276, %dma_start3A_279] : memref<1000000x32xf32, #tpu.memory_space<hbm>> -> memref<1x32xf32, #tpu.memory_space<hbm>>
        %dma_start3A_281 = arith.constant 0 : i32
        %dma_start3A_282 = tpu.memref_slice %arg12[%add3A_274, %dma_start3A_281] : memref<256x32xf32, #tpu.memory_space<vmem>> -> memref<1x32xf32, #tpu.memory_space<vmem>>
        %dma_start3A_283 = arith.constant 0 : i32
        %dma_start3A_284 = tpu.memref_slice %arg5[%squeeze3A_276, %dma_start3A_283] : memref<1000000x32xf32, #tpu.memory_space<hbm>> -> memref<1x32xf32, #tpu.memory_space<hbm>>
        tpu.enqueue_dma source(%dma_start3A_284 : memref<1x32xf32, #tpu.memory_space<hbm>>) target(%dma_start3A_282 : memref<1x32xf32, #tpu.memory_space<vmem>>) target_semaphore(%arg17 : memref<!tpu.dma_semaphore, #tpu.memory_space<semaphore_mem>>)
        %slice3A_285 = vector.extract_strided_slice %get3A_48 {offsets = [7], sizes = [1], strides = [1]} : vector<16xi32> to vector<1xi32>
        %squeeze3A_286 = vector.extract %slice3A_285[0] : i32 from vector<1xi32>
        %dma_start3A_287 = arith.constant 0 : i32
        %dma_start3A_288 = tpu.memref_slice %arg13[%add3A_274, %dma_start3A_287] : memref<256x32xf32, #tpu.memory_space<vmem>> -> memref<1x32xf32, #tpu.memory_space<vmem>>
        %dma_start3A_289 = arith.constant 0 : i32
        %dma_start3A_290 = tpu.memref_slice %arg6[%squeeze3A_286, %dma_start3A_289] : memref<100000x32xf32, #tpu.memory_space<hbm>> -> memref<1x32xf32, #tpu.memory_space<hbm>>
        %dma_start3A_291 = arith.constant 0 : i32
        %dma_start3A_292 = tpu.memref_slice %arg13[%add3A_274, %dma_start3A_291] : memref<256x32xf32, #tpu.memory_space<vmem>> -> memref<1x32xf32, #tpu.memory_space<vmem>>
        %dma_start3A_293 = arith.constant 0 : i32
        %dma_start3A_294 = tpu.memref_slice %arg6[%squeeze3A_286, %dma_start3A_293] : memref<100000x32xf32, #tpu.memory_space<hbm>> -> memref<1x32xf32, #tpu.memory_space<hbm>>
        tpu.enqueue_dma source(%dma_start3A_294 : memref<1x32xf32, #tpu.memory_space<hbm>>) target(%dma_start3A_292 : memref<1x32xf32, #tpu.memory_space<vmem>>) target_semaphore(%arg17 : memref<!tpu.dma_semaphore, #tpu.memory_space<semaphore_mem>>)
        %slice3A_295 = vector.extract_strided_slice %get3A_51 {offsets = [7], sizes = [1], strides = [1]} : vector<16xi32> to vector<1xi32>
        %squeeze3A_296 = vector.extract %slice3A_295[0] : i32 from vector<1xi32>
        %dma_start3A_297 = arith.constant 0 : i32
        %dma_start3A_298 = tpu.memref_slice %arg14[%add3A_274, %dma_start3A_297] : memref<256x32xf32, #tpu.memory_space<vmem>> -> memref<1x32xf32, #tpu.memory_space<vmem>>
        %dma_start3A_299 = arith.constant 0 : i32
        %dma_start3A_300 = tpu.memref_slice %arg6[%squeeze3A_296, %dma_start3A_299] : memref<100000x32xf32, #tpu.memory_space<hbm>> -> memref<1x32xf32, #tpu.memory_space<hbm>>
        %dma_start3A_301 = arith.constant 0 : i32
        %dma_start3A_302 = tpu.memref_slice %arg14[%add3A_274, %dma_start3A_301] : memref<256x32xf32, #tpu.memory_space<vmem>> -> memref<1x32xf32, #tpu.memory_space<vmem>>
        %dma_start3A_303 = arith.constant 0 : i32
        %dma_start3A_304 = tpu.memref_slice %arg6[%squeeze3A_296, %dma_start3A_303] : memref<100000x32xf32, #tpu.memory_space<hbm>> -> memref<1x32xf32, #tpu.memory_space<hbm>>
        tpu.enqueue_dma source(%dma_start3A_304 : memref<1x32xf32, #tpu.memory_space<hbm>>) target(%dma_start3A_302 : memref<1x32xf32, #tpu.memory_space<vmem>>) target_semaphore(%arg17 : memref<!tpu.dma_semaphore, #tpu.memory_space<semaphore_mem>>)
        %add3A_305 = arith.constant 8 : i32
        %add3A_306 = arith.addi %multiple_of3A_43, %add3A_305 : i32
        %slice3A_307 = vector.extract_strided_slice %get3A_45 {offsets = [8], sizes = [1], strides = [1]} : vector<16xi32> to vector<1xi32>
        %squeeze3A_308 = vector.extract %slice3A_307[0] : i32 from vector<1xi32>
        %dma_start3A_309 = arith.constant 0 : i32
        %dma_start3A_310 = tpu.memref_slice %arg12[%add3A_306, %dma_start3A_309] : memref<256x32xf32, #tpu.memory_space<vmem>> -> memref<1x32xf32, #tpu.memory_space<vmem>>
        %dma_start3A_311 = arith.constant 0 : i32
        %dma_start3A_312 = tpu.memref_slice %arg5[%squeeze3A_308, %dma_start3A_311] : memref<1000000x32xf32, #tpu.memory_space<hbm>> -> memref<1x32xf32, #tpu.memory_space<hbm>>
        %dma_start3A_313 = arith.constant 0 : i32
        %dma_start3A_314 = tpu.memref_slice %arg12[%add3A_306, %dma_start3A_313] : memref<256x32xf32, #tpu.memory_space<vmem>> -> memref<1x32xf32, #tpu.memory_space<vmem>>
        %dma_start3A_315 = arith.constant 0 : i32
        %dma_start3A_316 = tpu.memref_slice %arg5[%squeeze3A_308, %dma_start3A_315] : memref<1000000x32xf32, #tpu.memory_space<hbm>> -> memref<1x32xf32, #tpu.memory_space<hbm>>
        tpu.enqueue_dma source(%dma_start3A_316 : memref<1x32xf32, #tpu.memory_space<hbm>>) target(%dma_start3A_314 : memref<1x32xf32, #tpu.memory_space<vmem>>) target_semaphore(%arg17 : memref<!tpu.dma_semaphore, #tpu.memory_space<semaphore_mem>>)
        %slice3A_317 = vector.extract_strided_slice %get3A_48 {offsets = [8], sizes = [1], strides = [1]} : vector<16xi32> to vector<1xi32>
        %squeeze3A_318 = vector.extract %slice3A_317[0] : i32 from vector<1xi32>
        %dma_start3A_319 = arith.constant 0 : i32
        %dma_start3A_320 = tpu.memref_slice %arg13[%add3A_306, %dma_start3A_319] : memref<256x32xf32, #tpu.memory_space<vmem>> -> memref<1x32xf32, #tpu.memory_space<vmem>>
        %dma_start3A_321 = arith.constant 0 : i32
        %dma_start3A_322 = tpu.memref_slice %arg6[%squeeze3A_318, %dma_start3A_321] : memref<100000x32xf32, #tpu.memory_space<hbm>> -> memref<1x32xf32, #tpu.memory_space<hbm>>
        %dma_start3A_323 = arith.constant 0 : i32
        %dma_start3A_324 = tpu.memref_slice %arg13[%add3A_306, %dma_start3A_323] : memref<256x32xf32, #tpu.memory_space<vmem>> -> memref<1x32xf32, #tpu.memory_space<vmem>>
        %dma_start3A_325 = arith.constant 0 : i32
        %dma_start3A_326 = tpu.memref_slice %arg6[%squeeze3A_318, %dma_start3A_325] : memref<100000x32xf32, #tpu.memory_space<hbm>> -> memref<1x32xf32, #tpu.memory_space<hbm>>
        tpu.enqueue_dma source(%dma_start3A_326 : memref<1x32xf32, #tpu.memory_space<hbm>>) target(%dma_start3A_324 : memref<1x32xf32, #tpu.memory_space<vmem>>) target_semaphore(%arg17 : memref<!tpu.dma_semaphore, #tpu.memory_space<semaphore_mem>>)
        %slice3A_327 = vector.extract_strided_slice %get3A_51 {offsets = [8], sizes = [1], strides = [1]} : vector<16xi32> to vector<1xi32>
        %squeeze3A_328 = vector.extract %slice3A_327[0] : i32 from vector<1xi32>
        %dma_start3A_329 = arith.constant 0 : i32
        %dma_start3A_330 = tpu.memref_slice %arg14[%add3A_306, %dma_start3A_329] : memref<256x32xf32, #tpu.memory_space<vmem>> -> memref<1x32xf32, #tpu.memory_space<vmem>>
        %dma_start3A_331 = arith.constant 0 : i32
        %dma_start3A_332 = tpu.memref_slice %arg6[%squeeze3A_328, %dma_start3A_331] : memref<100000x32xf32, #tpu.memory_space<hbm>> -> memref<1x32xf32, #tpu.memory_space<hbm>>
        %dma_start3A_333 = arith.constant 0 : i32
        %dma_start3A_334 = tpu.memref_slice %arg14[%add3A_306, %dma_start3A_333] : memref<256x32xf32, #tpu.memory_space<vmem>> -> memref<1x32xf32, #tpu.memory_space<vmem>>
        %dma_start3A_335 = arith.constant 0 : i32
        %dma_start3A_336 = tpu.memref_slice %arg6[%squeeze3A_328, %dma_start3A_335] : memref<100000x32xf32, #tpu.memory_space<hbm>> -> memref<1x32xf32, #tpu.memory_space<hbm>>
        tpu.enqueue_dma source(%dma_start3A_336 : memref<1x32xf32, #tpu.memory_space<hbm>>) target(%dma_start3A_334 : memref<1x32xf32, #tpu.memory_space<vmem>>) target_semaphore(%arg17 : memref<!tpu.dma_semaphore, #tpu.memory_space<semaphore_mem>>)
        %add3A_337 = arith.constant 9 : i32
        %add3A_338 = arith.addi %multiple_of3A_43, %add3A_337 : i32
        %slice3A_339 = vector.extract_strided_slice %get3A_45 {offsets = [9], sizes = [1], strides = [1]} : vector<16xi32> to vector<1xi32>
        %squeeze3A_340 = vector.extract %slice3A_339[0] : i32 from vector<1xi32>
        %dma_start3A_341 = arith.constant 0 : i32
        %dma_start3A_342 = tpu.memref_slice %arg12[%add3A_338, %dma_start3A_341] : memref<256x32xf32, #tpu.memory_space<vmem>> -> memref<1x32xf32, #tpu.memory_space<vmem>>
        %dma_start3A_343 = arith.constant 0 : i32
        %dma_start3A_344 = tpu.memref_slice %arg5[%squeeze3A_340, %dma_start3A_343] : memref<1000000x32xf32, #tpu.memory_space<hbm>> -> memref<1x32xf32, #tpu.memory_space<hbm>>
        %dma_start3A_345 = arith.constant 0 : i32
        %dma_start3A_346 = tpu.memref_slice %arg12[%add3A_338, %dma_start3A_345] : memref<256x32xf32, #tpu.memory_space<vmem>> -> memref<1x32xf32, #tpu.memory_space<vmem>>
        %dma_start3A_347 = arith.constant 0 : i32
        %dma_start3A_348 = tpu.memref_slice %arg5[%squeeze3A_340, %dma_start3A_347] : memref<1000000x32xf32, #tpu.memory_space<hbm>> -> memref<1x32xf32, #tpu.memory_space<hbm>>
        tpu.enqueue_dma source(%dma_start3A_348 : memref<1x32xf32, #tpu.memory_space<hbm>>) target(%dma_start3A_346 : memref<1x32xf32, #tpu.memory_space<vmem>>) target_semaphore(%arg17 : memref<!tpu.dma_semaphore, #tpu.memory_space<semaphore_mem>>)
        %slice3A_349 = vector.extract_strided_slice %get3A_48 {offsets = [9], sizes = [1], strides = [1]} : vector<16xi32> to vector<1xi32>
        %squeeze3A_350 = vector.extract %slice3A_349[0] : i32 from vector<1xi32>
        %dma_start3A_351 = arith.constant 0 : i32
        %dma_start3A_352 = tpu.memref_slice %arg13[%add3A_338, %dma_start3A_351] : memref<256x32xf32, #tpu.memory_space<vmem>> -> memref<1x32xf32, #tpu.memory_space<vmem>>
        %dma_start3A_353 = arith.constant 0 : i32
        %dma_start3A_354 = tpu.memref_slice %arg6[%squeeze3A_350, %dma_start3A_353] : memref<100000x32xf32, #tpu.memory_space<hbm>> -> memref<1x32xf32, #tpu.memory_space<hbm>>
        %dma_start3A_355 = arith.constant 0 : i32
        %dma_start3A_356 = tpu.memref_slice %arg13[%add3A_338, %dma_start3A_355] : memref<256x32xf32, #tpu.memory_space<vmem>> -> memref<1x32xf32, #tpu.memory_space<vmem>>
        %dma_start3A_357 = arith.constant 0 : i32
        %dma_start3A_358 = tpu.memref_slice %arg6[%squeeze3A_350, %dma_start3A_357] : memref<100000x32xf32, #tpu.memory_space<hbm>> -> memref<1x32xf32, #tpu.memory_space<hbm>>
        tpu.enqueue_dma source(%dma_start3A_358 : memref<1x32xf32, #tpu.memory_space<hbm>>) target(%dma_start3A_356 : memref<1x32xf32, #tpu.memory_space<vmem>>) target_semaphore(%arg17 : memref<!tpu.dma_semaphore, #tpu.memory_space<semaphore_mem>>)
        %slice3A_359 = vector.extract_strided_slice %get3A_51 {offsets = [9], sizes = [1], strides = [1]} : vector<16xi32> to vector<1xi32>
        %squeeze3A_360 = vector.extract %slice3A_359[0] : i32 from vector<1xi32>
        %dma_start3A_361 = arith.constant 0 : i32
        %dma_start3A_362 = tpu.memref_slice %arg14[%add3A_338, %dma_start3A_361] : memref<256x32xf32, #tpu.memory_space<vmem>> -> memref<1x32xf32, #tpu.memory_space<vmem>>
        %dma_start3A_363 = arith.constant 0 : i32
        %dma_start3A_364 = tpu.memref_slice %arg6[%squeeze3A_360, %dma_start3A_363] : memref<100000x32xf32, #tpu.memory_space<hbm>> -> memref<1x32xf32, #tpu.memory_space<hbm>>
        %dma_start3A_365 = arith.constant 0 : i32
        %dma_start3A_366 = tpu.memref_slice %arg14[%add3A_338, %dma_start3A_365] : memref<256x32xf32, #tpu.memory_space<vmem>> -> memref<1x32xf32, #tpu.memory_space<vmem>>
        %dma_start3A_367 = arith.constant 0 : i32
        %dma_start3A_368 = tpu.memref_slice %arg6[%squeeze3A_360, %dma_start3A_367] : memref<100000x32xf32, #tpu.memory_space<hbm>> -> memref<1x32xf32, #tpu.memory_space<hbm>>
        tpu.enqueue_dma source(%dma_start3A_368 : memref<1x32xf32, #tpu.memory_space<hbm>>) target(%dma_start3A_366 : memref<1x32xf32, #tpu.memory_space<vmem>>) target_semaphore(%arg17 : memref<!tpu.dma_semaphore, #tpu.memory_space<semaphore_mem>>)
        %add3A_369 = arith.constant 10 : i32
        %add3A_370 = arith.addi %multiple_of3A_43, %add3A_369 : i32
        %slice3A_371 = vector.extract_strided_slice %get3A_45 {offsets = [10], sizes = [1], strides = [1]} : vector<16xi32> to vector<1xi32>
        %squeeze3A_372 = vector.extract %slice3A_371[0] : i32 from vector<1xi32>
        %dma_start3A_373 = arith.constant 0 : i32
        %dma_start3A_374 = tpu.memref_slice %arg12[%add3A_370, %dma_start3A_373] : memref<256x32xf32, #tpu.memory_space<vmem>> -> memref<1x32xf32, #tpu.memory_space<vmem>>
        %dma_start3A_375 = arith.constant 0 : i32
        %dma_start3A_376 = tpu.memref_slice %arg5[%squeeze3A_372, %dma_start3A_375] : memref<1000000x32xf32, #tpu.memory_space<hbm>> -> memref<1x32xf32, #tpu.memory_space<hbm>>
        %dma_start3A_377 = arith.constant 0 : i32
        %dma_start3A_378 = tpu.memref_slice %arg12[%add3A_370, %dma_start3A_377] : memref<256x32xf32, #tpu.memory_space<vmem>> -> memref<1x32xf32, #tpu.memory_space<vmem>>
        %dma_start3A_379 = arith.constant 0 : i32
        %dma_start3A_380 = tpu.memref_slice %arg5[%squeeze3A_372, %dma_start3A_379] : memref<1000000x32xf32, #tpu.memory_space<hbm>> -> memref<1x32xf32, #tpu.memory_space<hbm>>
        tpu.enqueue_dma source(%dma_start3A_380 : memref<1x32xf32, #tpu.memory_space<hbm>>) target(%dma_start3A_378 : memref<1x32xf32, #tpu.memory_space<vmem>>) target_semaphore(%arg17 : memref<!tpu.dma_semaphore, #tpu.memory_space<semaphore_mem>>)
        %slice3A_381 = vector.extract_strided_slice %get3A_48 {offsets = [10], sizes = [1], strides = [1]} : vector<16xi32> to vector<1xi32>
        %squeeze3A_382 = vector.extract %slice3A_381[0] : i32 from vector<1xi32>
        %dma_start3A_383 = arith.constant 0 : i32
        %dma_start3A_384 = tpu.memref_slice %arg13[%add3A_370, %dma_start3A_383] : memref<256x32xf32, #tpu.memory_space<vmem>> -> memref<1x32xf32, #tpu.memory_space<vmem>>
        %dma_start3A_385 = arith.constant 0 : i32
        %dma_start3A_386 = tpu.memref_slice %arg6[%squeeze3A_382, %dma_start3A_385] : memref<100000x32xf32, #tpu.memory_space<hbm>> -> memref<1x32xf32, #tpu.memory_space<hbm>>
        %dma_start3A_387 = arith.constant 0 : i32
        %dma_start3A_388 = tpu.memref_slice %arg13[%add3A_370, %dma_start3A_387] : memref<256x32xf32, #tpu.memory_space<vmem>> -> memref<1x32xf32, #tpu.memory_space<vmem>>
        %dma_start3A_389 = arith.constant 0 : i32
        %dma_start3A_390 = tpu.memref_slice %arg6[%squeeze3A_382, %dma_start3A_389] : memref<100000x32xf32, #tpu.memory_space<hbm>> -> memref<1x32xf32, #tpu.memory_space<hbm>>
        tpu.enqueue_dma source(%dma_start3A_390 : memref<1x32xf32, #tpu.memory_space<hbm>>) target(%dma_start3A_388 : memref<1x32xf32, #tpu.memory_space<vmem>>) target_semaphore(%arg17 : memref<!tpu.dma_semaphore, #tpu.memory_space<semaphore_mem>>)
        %slice3A_391 = vector.extract_strided_slice %get3A_51 {offsets = [10], sizes = [1], strides = [1]} : vector<16xi32> to vector<1xi32>
        %squeeze3A_392 = vector.extract %slice3A_391[0] : i32 from vector<1xi32>
        %dma_start3A_393 = arith.constant 0 : i32
        %dma_start3A_394 = tpu.memref_slice %arg14[%add3A_370, %dma_start3A_393] : memref<256x32xf32, #tpu.memory_space<vmem>> -> memref<1x32xf32, #tpu.memory_space<vmem>>
        %dma_start3A_395 = arith.constant 0 : i32
        %dma_start3A_396 = tpu.memref_slice %arg6[%squeeze3A_392, %dma_start3A_395] : memref<100000x32xf32, #tpu.memory_space<hbm>> -> memref<1x32xf32, #tpu.memory_space<hbm>>
        %dma_start3A_397 = arith.constant 0 : i32
        %dma_start3A_398 = tpu.memref_slice %arg14[%add3A_370, %dma_start3A_397] : memref<256x32xf32, #tpu.memory_space<vmem>> -> memref<1x32xf32, #tpu.memory_space<vmem>>
        %dma_start3A_399 = arith.constant 0 : i32
        %dma_start3A_400 = tpu.memref_slice %arg6[%squeeze3A_392, %dma_start3A_399] : memref<100000x32xf32, #tpu.memory_space<hbm>> -> memref<1x32xf32, #tpu.memory_space<hbm>>
        tpu.enqueue_dma source(%dma_start3A_400 : memref<1x32xf32, #tpu.memory_space<hbm>>) target(%dma_start3A_398 : memref<1x32xf32, #tpu.memory_space<vmem>>) target_semaphore(%arg17 : memref<!tpu.dma_semaphore, #tpu.memory_space<semaphore_mem>>)
        %add3A_401 = arith.constant 11 : i32
        %add3A_402 = arith.addi %multiple_of3A_43, %add3A_401 : i32
        %slice3A_403 = vector.extract_strided_slice %get3A_45 {offsets = [11], sizes = [1], strides = [1]} : vector<16xi32> to vector<1xi32>
        %squeeze3A_404 = vector.extract %slice3A_403[0] : i32 from vector<1xi32>
        %dma_start3A_405 = arith.constant 0 : i32
        %dma_start3A_406 = tpu.memref_slice %arg12[%add3A_402, %dma_start3A_405] : memref<256x32xf32, #tpu.memory_space<vmem>> -> memref<1x32xf32, #tpu.memory_space<vmem>>
        %dma_start3A_407 = arith.constant 0 : i32
        %dma_start3A_408 = tpu.memref_slice %arg5[%squeeze3A_404, %dma_start3A_407] : memref<1000000x32xf32, #tpu.memory_space<hbm>> -> memref<1x32xf32, #tpu.memory_space<hbm>>
        %dma_start3A_409 = arith.constant 0 : i32
        %dma_start3A_410 = tpu.memref_slice %arg12[%add3A_402, %dma_start3A_409] : memref<256x32xf32, #tpu.memory_space<vmem>> -> memref<1x32xf32, #tpu.memory_space<vmem>>
        %dma_start3A_411 = arith.constant 0 : i32
        %dma_start3A_412 = tpu.memref_slice %arg5[%squeeze3A_404, %dma_start3A_411] : memref<1000000x32xf32, #tpu.memory_space<hbm>> -> memref<1x32xf32, #tpu.memory_space<hbm>>
        tpu.enqueue_dma source(%dma_start3A_412 : memref<1x32xf32, #tpu.memory_space<hbm>>) target(%dma_start3A_410 : memref<1x32xf32, #tpu.memory_space<vmem>>) target_semaphore(%arg17 : memref<!tpu.dma_semaphore, #tpu.memory_space<semaphore_mem>>)
        %slice3A_413 = vector.extract_strided_slice %get3A_48 {offsets = [11], sizes = [1], strides = [1]} : vector<16xi32> to vector<1xi32>
        %squeeze3A_414 = vector.extract %slice3A_413[0] : i32 from vector<1xi32>
        %dma_start3A_415 = arith.constant 0 : i32
        %dma_start3A_416 = tpu.memref_slice %arg13[%add3A_402, %dma_start3A_415] : memref<256x32xf32, #tpu.memory_space<vmem>> -> memref<1x32xf32, #tpu.memory_space<vmem>>
        %dma_start3A_417 = arith.constant 0 : i32
        %dma_start3A_418 = tpu.memref_slice %arg6[%squeeze3A_414, %dma_start3A_417] : memref<100000x32xf32, #tpu.memory_space<hbm>> -> memref<1x32xf32, #tpu.memory_space<hbm>>
        %dma_start3A_419 = arith.constant 0 : i32
        %dma_start3A_420 = tpu.memref_slice %arg13[%add3A_402, %dma_start3A_419] : memref<256x32xf32, #tpu.memory_space<vmem>> -> memref<1x32xf32, #tpu.memory_space<vmem>>
        %dma_start3A_421 = arith.constant 0 : i32
        %dma_start3A_422 = tpu.memref_slice %arg6[%squeeze3A_414, %dma_start3A_421] : memref<100000x32xf32, #tpu.memory_space<hbm>> -> memref<1x32xf32, #tpu.memory_space<hbm>>
        tpu.enqueue_dma source(%dma_start3A_422 : memref<1x32xf32, #tpu.memory_space<hbm>>) target(%dma_start3A_420 : memref<1x32xf32, #tpu.memory_space<vmem>>) target_semaphore(%arg17 : memref<!tpu.dma_semaphore, #tpu.memory_space<semaphore_mem>>)
        %slice3A_423 = vector.extract_strided_slice %get3A_51 {offsets = [11], sizes = [1], strides = [1]} : vector<16xi32> to vector<1xi32>
        %squeeze3A_424 = vector.extract %slice3A_423[0] : i32 from vector<1xi32>
        %dma_start3A_425 = arith.constant 0 : i32
        %dma_start3A_426 = tpu.memref_slice %arg14[%add3A_402, %dma_start3A_425] : memref<256x32xf32, #tpu.memory_space<vmem>> -> memref<1x32xf32, #tpu.memory_space<vmem>>
        %dma_start3A_427 = arith.constant 0 : i32
        %dma_start3A_428 = tpu.memref_slice %arg6[%squeeze3A_424, %dma_start3A_427] : memref<100000x32xf32, #tpu.memory_space<hbm>> -> memref<1x32xf32, #tpu.memory_space<hbm>>
        %dma_start3A_429 = arith.constant 0 : i32
        %dma_start3A_430 = tpu.memref_slice %arg14[%add3A_402, %dma_start3A_429] : memref<256x32xf32, #tpu.memory_space<vmem>> -> memref<1x32xf32, #tpu.memory_space<vmem>>
        %dma_start3A_431 = arith.constant 0 : i32
        %dma_start3A_432 = tpu.memref_slice %arg6[%squeeze3A_424, %dma_start3A_431] : memref<100000x32xf32, #tpu.memory_space<hbm>> -> memref<1x32xf32, #tpu.memory_space<hbm>>
        tpu.enqueue_dma source(%dma_start3A_432 : memref<1x32xf32, #tpu.memory_space<hbm>>) target(%dma_start3A_430 : memref<1x32xf32, #tpu.memory_space<vmem>>) target_semaphore(%arg17 : memref<!tpu.dma_semaphore, #tpu.memory_space<semaphore_mem>>)
        %add3A_433 = arith.constant 12 : i32
        %add3A_434 = arith.addi %multiple_of3A_43, %add3A_433 : i32
        %slice3A_435 = vector.extract_strided_slice %get3A_45 {offsets = [12], sizes = [1], strides = [1]} : vector<16xi32> to vector<1xi32>
        %squeeze3A_436 = vector.extract %slice3A_435[0] : i32 from vector<1xi32>
        %dma_start3A_437 = arith.constant 0 : i32
        %dma_start3A_438 = tpu.memref_slice %arg12[%add3A_434, %dma_start3A_437] : memref<256x32xf32, #tpu.memory_space<vmem>> -> memref<1x32xf32, #tpu.memory_space<vmem>>
        %dma_start3A_439 = arith.constant 0 : i32
        %dma_start3A_440 = tpu.memref_slice %arg5[%squeeze3A_436, %dma_start3A_439] : memref<1000000x32xf32, #tpu.memory_space<hbm>> -> memref<1x32xf32, #tpu.memory_space<hbm>>
        %dma_start3A_441 = arith.constant 0 : i32
        %dma_start3A_442 = tpu.memref_slice %arg12[%add3A_434, %dma_start3A_441] : memref<256x32xf32, #tpu.memory_space<vmem>> -> memref<1x32xf32, #tpu.memory_space<vmem>>
        %dma_start3A_443 = arith.constant 0 : i32
        %dma_start3A_444 = tpu.memref_slice %arg5[%squeeze3A_436, %dma_start3A_443] : memref<1000000x32xf32, #tpu.memory_space<hbm>> -> memref<1x32xf32, #tpu.memory_space<hbm>>
        tpu.enqueue_dma source(%dma_start3A_444 : memref<1x32xf32, #tpu.memory_space<hbm>>) target(%dma_start3A_442 : memref<1x32xf32, #tpu.memory_space<vmem>>) target_semaphore(%arg17 : memref<!tpu.dma_semaphore, #tpu.memory_space<semaphore_mem>>)
        %slice3A_445 = vector.extract_strided_slice %get3A_48 {offsets = [12], sizes = [1], strides = [1]} : vector<16xi32> to vector<1xi32>
        %squeeze3A_446 = vector.extract %slice3A_445[0] : i32 from vector<1xi32>
        %dma_start3A_447 = arith.constant 0 : i32
        %dma_start3A_448 = tpu.memref_slice %arg13[%add3A_434, %dma_start3A_447] : memref<256x32xf32, #tpu.memory_space<vmem>> -> memref<1x32xf32, #tpu.memory_space<vmem>>
        %dma_start3A_449 = arith.constant 0 : i32
        %dma_start3A_450 = tpu.memref_slice %arg6[%squeeze3A_446, %dma_start3A_449] : memref<100000x32xf32, #tpu.memory_space<hbm>> -> memref<1x32xf32, #tpu.memory_space<hbm>>
        %dma_start3A_451 = arith.constant 0 : i32
        %dma_start3A_452 = tpu.memref_slice %arg13[%add3A_434, %dma_start3A_451] : memref<256x32xf32, #tpu.memory_space<vmem>> -> memref<1x32xf32, #tpu.memory_space<vmem>>
        %dma_start3A_453 = arith.constant 0 : i32
        %dma_start3A_454 = tpu.memref_slice %arg6[%squeeze3A_446, %dma_start3A_453] : memref<100000x32xf32, #tpu.memory_space<hbm>> -> memref<1x32xf32, #tpu.memory_space<hbm>>
        tpu.enqueue_dma source(%dma_start3A_454 : memref<1x32xf32, #tpu.memory_space<hbm>>) target(%dma_start3A_452 : memref<1x32xf32, #tpu.memory_space<vmem>>) target_semaphore(%arg17 : memref<!tpu.dma_semaphore, #tpu.memory_space<semaphore_mem>>)
        %slice3A_455 = vector.extract_strided_slice %get3A_51 {offsets = [12], sizes = [1], strides = [1]} : vector<16xi32> to vector<1xi32>
        %squeeze3A_456 = vector.extract %slice3A_455[0] : i32 from vector<1xi32>
        %dma_start3A_457 = arith.constant 0 : i32
        %dma_start3A_458 = tpu.memref_slice %arg14[%add3A_434, %dma_start3A_457] : memref<256x32xf32, #tpu.memory_space<vmem>> -> memref<1x32xf32, #tpu.memory_space<vmem>>
        %dma_start3A_459 = arith.constant 0 : i32
        %dma_start3A_460 = tpu.memref_slice %arg6[%squeeze3A_456, %dma_start3A_459] : memref<100000x32xf32, #tpu.memory_space<hbm>> -> memref<1x32xf32, #tpu.memory_space<hbm>>
        %dma_start3A_461 = arith.constant 0 : i32
        %dma_start3A_462 = tpu.memref_slice %arg14[%add3A_434, %dma_start3A_461] : memref<256x32xf32, #tpu.memory_space<vmem>> -> memref<1x32xf32, #tpu.memory_space<vmem>>
        %dma_start3A_463 = arith.constant 0 : i32
        %dma_start3A_464 = tpu.memref_slice %arg6[%squeeze3A_456, %dma_start3A_463] : memref<100000x32xf32, #tpu.memory_space<hbm>> -> memref<1x32xf32, #tpu.memory_space<hbm>>
        tpu.enqueue_dma source(%dma_start3A_464 : memref<1x32xf32, #tpu.memory_space<hbm>>) target(%dma_start3A_462 : memref<1x32xf32, #tpu.memory_space<vmem>>) target_semaphore(%arg17 : memref<!tpu.dma_semaphore, #tpu.memory_space<semaphore_mem>>)
        %add3A_465 = arith.constant 13 : i32
        %add3A_466 = arith.addi %multiple_of3A_43, %add3A_465 : i32
        %slice3A_467 = vector.extract_strided_slice %get3A_45 {offsets = [13], sizes = [1], strides = [1]} : vector<16xi32> to vector<1xi32>
        %squeeze3A_468 = vector.extract %slice3A_467[0] : i32 from vector<1xi32>
        %dma_start3A_469 = arith.constant 0 : i32
        %dma_start3A_470 = tpu.memref_slice %arg12[%add3A_466, %dma_start3A_469] : memref<256x32xf32, #tpu.memory_space<vmem>> -> memref<1x32xf32, #tpu.memory_space<vmem>>
        %dma_start3A_471 = arith.constant 0 : i32
        %dma_start3A_472 = tpu.memref_slice %arg5[%squeeze3A_468, %dma_start3A_471] : memref<1000000x32xf32, #tpu.memory_space<hbm>> -> memref<1x32xf32, #tpu.memory_space<hbm>>
        %dma_start3A_473 = arith.constant 0 : i32
        %dma_start3A_474 = tpu.memref_slice %arg12[%add3A_466, %dma_start3A_473] : memref<256x32xf32, #tpu.memory_space<vmem>> -> memref<1x32xf32, #tpu.memory_space<vmem>>
        %dma_start3A_475 = arith.constant 0 : i32
        %dma_start3A_476 = tpu.memref_slice %arg5[%squeeze3A_468, %dma_start3A_475] : memref<1000000x32xf32, #tpu.memory_space<hbm>> -> memref<1x32xf32, #tpu.memory_space<hbm>>
        tpu.enqueue_dma source(%dma_start3A_476 : memref<1x32xf32, #tpu.memory_space<hbm>>) target(%dma_start3A_474 : memref<1x32xf32, #tpu.memory_space<vmem>>) target_semaphore(%arg17 : memref<!tpu.dma_semaphore, #tpu.memory_space<semaphore_mem>>)
        %slice3A_477 = vector.extract_strided_slice %get3A_48 {offsets = [13], sizes = [1], strides = [1]} : vector<16xi32> to vector<1xi32>
        %squeeze3A_478 = vector.extract %slice3A_477[0] : i32 from vector<1xi32>
        %dma_start3A_479 = arith.constant 0 : i32
        %dma_start3A_480 = tpu.memref_slice %arg13[%add3A_466, %dma_start3A_479] : memref<256x32xf32, #tpu.memory_space<vmem>> -> memref<1x32xf32, #tpu.memory_space<vmem>>
        %dma_start3A_481 = arith.constant 0 : i32
        %dma_start3A_482 = tpu.memref_slice %arg6[%squeeze3A_478, %dma_start3A_481] : memref<100000x32xf32, #tpu.memory_space<hbm>> -> memref<1x32xf32, #tpu.memory_space<hbm>>
        %dma_start3A_483 = arith.constant 0 : i32
        %dma_start3A_484 = tpu.memref_slice %arg13[%add3A_466, %dma_start3A_483] : memref<256x32xf32, #tpu.memory_space<vmem>> -> memref<1x32xf32, #tpu.memory_space<vmem>>
        %dma_start3A_485 = arith.constant 0 : i32
        %dma_start3A_486 = tpu.memref_slice %arg6[%squeeze3A_478, %dma_start3A_485] : memref<100000x32xf32, #tpu.memory_space<hbm>> -> memref<1x32xf32, #tpu.memory_space<hbm>>
        tpu.enqueue_dma source(%dma_start3A_486 : memref<1x32xf32, #tpu.memory_space<hbm>>) target(%dma_start3A_484 : memref<1x32xf32, #tpu.memory_space<vmem>>) target_semaphore(%arg17 : memref<!tpu.dma_semaphore, #tpu.memory_space<semaphore_mem>>)
        %slice3A_487 = vector.extract_strided_slice %get3A_51 {offsets = [13], sizes = [1], strides = [1]} : vector<16xi32> to vector<1xi32>
        %squeeze3A_488 = vector.extract %slice3A_487[0] : i32 from vector<1xi32>
        %dma_start3A_489 = arith.constant 0 : i32
        %dma_start3A_490 = tpu.memref_slice %arg14[%add3A_466, %dma_start3A_489] : memref<256x32xf32, #tpu.memory_space<vmem>> -> memref<1x32xf32, #tpu.memory_space<vmem>>
        %dma_start3A_491 = arith.constant 0 : i32
        %dma_start3A_492 = tpu.memref_slice %arg6[%squeeze3A_488, %dma_start3A_491] : memref<100000x32xf32, #tpu.memory_space<hbm>> -> memref<1x32xf32, #tpu.memory_space<hbm>>
        %dma_start3A_493 = arith.constant 0 : i32
        %dma_start3A_494 = tpu.memref_slice %arg14[%add3A_466, %dma_start3A_493] : memref<256x32xf32, #tpu.memory_space<vmem>> -> memref<1x32xf32, #tpu.memory_space<vmem>>
        %dma_start3A_495 = arith.constant 0 : i32
        %dma_start3A_496 = tpu.memref_slice %arg6[%squeeze3A_488, %dma_start3A_495] : memref<100000x32xf32, #tpu.memory_space<hbm>> -> memref<1x32xf32, #tpu.memory_space<hbm>>
        tpu.enqueue_dma source(%dma_start3A_496 : memref<1x32xf32, #tpu.memory_space<hbm>>) target(%dma_start3A_494 : memref<1x32xf32, #tpu.memory_space<vmem>>) target_semaphore(%arg17 : memref<!tpu.dma_semaphore, #tpu.memory_space<semaphore_mem>>)
        %add3A_497 = arith.constant 14 : i32
        %add3A_498 = arith.addi %multiple_of3A_43, %add3A_497 : i32
        %slice3A_499 = vector.extract_strided_slice %get3A_45 {offsets = [14], sizes = [1], strides = [1]} : vector<16xi32> to vector<1xi32>
        %squeeze3A_500 = vector.extract %slice3A_499[0] : i32 from vector<1xi32>
        %dma_start3A_501 = arith.constant 0 : i32
        %dma_start3A_502 = tpu.memref_slice %arg12[%add3A_498, %dma_start3A_501] : memref<256x32xf32, #tpu.memory_space<vmem>> -> memref<1x32xf32, #tpu.memory_space<vmem>>
        %dma_start3A_503 = arith.constant 0 : i32
        %dma_start3A_504 = tpu.memref_slice %arg5[%squeeze3A_500, %dma_start3A_503] : memref<1000000x32xf32, #tpu.memory_space<hbm>> -> memref<1x32xf32, #tpu.memory_space<hbm>>
        %dma_start3A_505 = arith.constant 0 : i32
        %dma_start3A_506 = tpu.memref_slice %arg12[%add3A_498, %dma_start3A_505] : memref<256x32xf32, #tpu.memory_space<vmem>> -> memref<1x32xf32, #tpu.memory_space<vmem>>
        %dma_start3A_507 = arith.constant 0 : i32
        %dma_start3A_508 = tpu.memref_slice %arg5[%squeeze3A_500, %dma_start3A_507] : memref<1000000x32xf32, #tpu.memory_space<hbm>> -> memref<1x32xf32, #tpu.memory_space<hbm>>
        tpu.enqueue_dma source(%dma_start3A_508 : memref<1x32xf32, #tpu.memory_space<hbm>>) target(%dma_start3A_506 : memref<1x32xf32, #tpu.memory_space<vmem>>) target_semaphore(%arg17 : memref<!tpu.dma_semaphore, #tpu.memory_space<semaphore_mem>>)
        %slice3A_509 = vector.extract_strided_slice %get3A_48 {offsets = [14], sizes = [1], strides = [1]} : vector<16xi32> to vector<1xi32>
        %squeeze3A_510 = vector.extract %slice3A_509[0] : i32 from vector<1xi32>
        %dma_start3A_511 = arith.constant 0 : i32
        %dma_start3A_512 = tpu.memref_slice %arg13[%add3A_498, %dma_start3A_511] : memref<256x32xf32, #tpu.memory_space<vmem>> -> memref<1x32xf32, #tpu.memory_space<vmem>>
        %dma_start3A_513 = arith.constant 0 : i32
        %dma_start3A_514 = tpu.memref_slice %arg6[%squeeze3A_510, %dma_start3A_513] : memref<100000x32xf32, #tpu.memory_space<hbm>> -> memref<1x32xf32, #tpu.memory_space<hbm>>
        %dma_start3A_515 = arith.constant 0 : i32
        %dma_start3A_516 = tpu.memref_slice %arg13[%add3A_498, %dma_start3A_515] : memref<256x32xf32, #tpu.memory_space<vmem>> -> memref<1x32xf32, #tpu.memory_space<vmem>>
        %dma_start3A_517 = arith.constant 0 : i32
        %dma_start3A_518 = tpu.memref_slice %arg6[%squeeze3A_510, %dma_start3A_517] : memref<100000x32xf32, #tpu.memory_space<hbm>> -> memref<1x32xf32, #tpu.memory_space<hbm>>
        tpu.enqueue_dma source(%dma_start3A_518 : memref<1x32xf32, #tpu.memory_space<hbm>>) target(%dma_start3A_516 : memref<1x32xf32, #tpu.memory_space<vmem>>) target_semaphore(%arg17 : memref<!tpu.dma_semaphore, #tpu.memory_space<semaphore_mem>>)
        %slice3A_519 = vector.extract_strided_slice %get3A_51 {offsets = [14], sizes = [1], strides = [1]} : vector<16xi32> to vector<1xi32>
        %squeeze3A_520 = vector.extract %slice3A_519[0] : i32 from vector<1xi32>
        %dma_start3A_521 = arith.constant 0 : i32
        %dma_start3A_522 = tpu.memref_slice %arg14[%add3A_498, %dma_start3A_521] : memref<256x32xf32, #tpu.memory_space<vmem>> -> memref<1x32xf32, #tpu.memory_space<vmem>>
        %dma_start3A_523 = arith.constant 0 : i32
        %dma_start3A_524 = tpu.memref_slice %arg6[%squeeze3A_520, %dma_start3A_523] : memref<100000x32xf32, #tpu.memory_space<hbm>> -> memref<1x32xf32, #tpu.memory_space<hbm>>
        %dma_start3A_525 = arith.constant 0 : i32
        %dma_start3A_526 = tpu.memref_slice %arg14[%add3A_498, %dma_start3A_525] : memref<256x32xf32, #tpu.memory_space<vmem>> -> memref<1x32xf32, #tpu.memory_space<vmem>>
        %dma_start3A_527 = arith.constant 0 : i32
        %dma_start3A_528 = tpu.memref_slice %arg6[%squeeze3A_520, %dma_start3A_527] : memref<100000x32xf32, #tpu.memory_space<hbm>> -> memref<1x32xf32, #tpu.memory_space<hbm>>
        tpu.enqueue_dma source(%dma_start3A_528 : memref<1x32xf32, #tpu.memory_space<hbm>>) target(%dma_start3A_526 : memref<1x32xf32, #tpu.memory_space<vmem>>) target_semaphore(%arg17 : memref<!tpu.dma_semaphore, #tpu.memory_space<semaphore_mem>>)
        %add3A_529 = arith.constant 15 : i32
        %add3A_530 = arith.addi %multiple_of3A_43, %add3A_529 : i32
        %slice3A_531 = vector.extract_strided_slice %get3A_45 {offsets = [15], sizes = [1], strides = [1]} : vector<16xi32> to vector<1xi32>
        %squeeze3A_532 = vector.extract %slice3A_531[0] : i32 from vector<1xi32>
        %dma_start3A_533 = arith.constant 0 : i32
        %dma_start3A_534 = tpu.memref_slice %arg12[%add3A_530, %dma_start3A_533] : memref<256x32xf32, #tpu.memory_space<vmem>> -> memref<1x32xf32, #tpu.memory_space<vmem>>
        %dma_start3A_535 = arith.constant 0 : i32
        %dma_start3A_536 = tpu.memref_slice %arg5[%squeeze3A_532, %dma_start3A_535] : memref<1000000x32xf32, #tpu.memory_space<hbm>> -> memref<1x32xf32, #tpu.memory_space<hbm>>
        %dma_start3A_537 = arith.constant 0 : i32
        %dma_start3A_538 = tpu.memref_slice %arg12[%add3A_530, %dma_start3A_537] : memref<256x32xf32, #tpu.memory_space<vmem>> -> memref<1x32xf32, #tpu.memory_space<vmem>>
        %dma_start3A_539 = arith.constant 0 : i32
        %dma_start3A_540 = tpu.memref_slice %arg5[%squeeze3A_532, %dma_start3A_539] : memref<1000000x32xf32, #tpu.memory_space<hbm>> -> memref<1x32xf32, #tpu.memory_space<hbm>>
        tpu.enqueue_dma source(%dma_start3A_540 : memref<1x32xf32, #tpu.memory_space<hbm>>) target(%dma_start3A_538 : memref<1x32xf32, #tpu.memory_space<vmem>>) target_semaphore(%arg17 : memref<!tpu.dma_semaphore, #tpu.memory_space<semaphore_mem>>)
        %slice3A_541 = vector.extract_strided_slice %get3A_48 {offsets = [15], sizes = [1], strides = [1]} : vector<16xi32> to vector<1xi32>
        %squeeze3A_542 = vector.extract %slice3A_541[0] : i32 from vector<1xi32>
        %dma_start3A_543 = arith.constant 0 : i32
        %dma_start3A_544 = tpu.memref_slice %arg13[%add3A_530, %dma_start3A_543] : memref<256x32xf32, #tpu.memory_space<vmem>> -> memref<1x32xf32, #tpu.memory_space<vmem>>
        %dma_start3A_545 = arith.constant 0 : i32
        %dma_start3A_546 = tpu.memref_slice %arg6[%squeeze3A_542, %dma_start3A_545] : memref<100000x32xf32, #tpu.memory_space<hbm>> -> memref<1x32xf32, #tpu.memory_space<hbm>>
        %dma_start3A_547 = arith.constant 0 : i32
        %dma_start3A_548 = tpu.memref_slice %arg13[%add3A_530, %dma_start3A_547] : memref<256x32xf32, #tpu.memory_space<vmem>> -> memref<1x32xf32, #tpu.memory_space<vmem>>
        %dma_start3A_549 = arith.constant 0 : i32
        %dma_start3A_550 = tpu.memref_slice %arg6[%squeeze3A_542, %dma_start3A_549] : memref<100000x32xf32, #tpu.memory_space<hbm>> -> memref<1x32xf32, #tpu.memory_space<hbm>>
        tpu.enqueue_dma source(%dma_start3A_550 : memref<1x32xf32, #tpu.memory_space<hbm>>) target(%dma_start3A_548 : memref<1x32xf32, #tpu.memory_space<vmem>>) target_semaphore(%arg17 : memref<!tpu.dma_semaphore, #tpu.memory_space<semaphore_mem>>)
        %slice3A_551 = vector.extract_strided_slice %get3A_51 {offsets = [15], sizes = [1], strides = [1]} : vector<16xi32> to vector<1xi32>
        %squeeze3A_552 = vector.extract %slice3A_551[0] : i32 from vector<1xi32>
        %dma_start3A_553 = arith.constant 0 : i32
        %dma_start3A_554 = tpu.memref_slice %arg14[%add3A_530, %dma_start3A_553] : memref<256x32xf32, #tpu.memory_space<vmem>> -> memref<1x32xf32, #tpu.memory_space<vmem>>
        %dma_start3A_555 = arith.constant 0 : i32
        %dma_start3A_556 = tpu.memref_slice %arg6[%squeeze3A_552, %dma_start3A_555] : memref<100000x32xf32, #tpu.memory_space<hbm>> -> memref<1x32xf32, #tpu.memory_space<hbm>>
        %dma_start3A_557 = arith.constant 0 : i32
        %dma_start3A_558 = tpu.memref_slice %arg14[%add3A_530, %dma_start3A_557] : memref<256x32xf32, #tpu.memory_space<vmem>> -> memref<1x32xf32, #tpu.memory_space<vmem>>
        %dma_start3A_559 = arith.constant 0 : i32
        %dma_start3A_560 = tpu.memref_slice %arg6[%squeeze3A_552, %dma_start3A_559] : memref<100000x32xf32, #tpu.memory_space<hbm>> -> memref<1x32xf32, #tpu.memory_space<hbm>>
        tpu.enqueue_dma source(%dma_start3A_560 : memref<1x32xf32, #tpu.memory_space<hbm>>) target(%dma_start3A_558 : memref<1x32xf32, #tpu.memory_space<vmem>>) target_semaphore(%arg17 : memref<!tpu.dma_semaphore, #tpu.memory_space<semaphore_mem>>)
      }
      %scan3A_16 = arith.constant 16 : i32
      %dma_wait3A = arith.constant 0 : i32
      %dma_wait3A_17 = arith.constant 0 : i32
      %dma_wait3A_18 = tpu.memref_slice %arg5[%dma_wait3A, %dma_wait3A_17] : memref<1000000x32xf32, #tpu.memory_space<hbm>> -> memref<256x32xf32, #tpu.memory_space<hbm>>
      %dma_wait3A_19 = arith.constant 0 : i32
      %dma_wait3A_20 = arith.constant 0 : i32
      %dma_wait3A_21 = tpu.memref_slice %arg5[%dma_wait3A_19, %dma_wait3A_20] : memref<1000000x32xf32, #tpu.memory_space<hbm>> -> memref<256x32xf32, #tpu.memory_space<hbm>>
      tpu.wait_dma2 semaphore(%arg17 : memref<!tpu.dma_semaphore, #tpu.memory_space<semaphore_mem>>) src(%dma_wait3A_21 : memref<256x32xf32, #tpu.memory_space<hbm>>) dst(%arg12 : memref<256x32xf32, #tpu.memory_space<vmem>>)
      %dma_wait3A_22 = arith.constant 0 : i32
      %dma_wait3A_23 = arith.constant 0 : i32
      %dma_wait3A_24 = tpu.memref_slice %arg6[%dma_wait3A_22, %dma_wait3A_23] : memref<100000x32xf32, #tpu.memory_space<hbm>> -> memref<256x32xf32, #tpu.memory_space<hbm>>
      %dma_wait3A_25 = arith.constant 0 : i32
      %dma_wait3A_26 = arith.constant 0 : i32
      %dma_wait3A_27 = tpu.memref_slice %arg6[%dma_wait3A_25, %dma_wait3A_26] : memref<100000x32xf32, #tpu.memory_space<hbm>> -> memref<256x32xf32, #tpu.memory_space<hbm>>
      tpu.wait_dma2 semaphore(%arg17 : memref<!tpu.dma_semaphore, #tpu.memory_space<semaphore_mem>>) src(%dma_wait3A_27 : memref<256x32xf32, #tpu.memory_space<hbm>>) dst(%arg13 : memref<256x32xf32, #tpu.memory_space<vmem>>)
      %dma_wait3A_28 = arith.constant 0 : i32
      %dma_wait3A_29 = arith.constant 0 : i32
      %dma_wait3A_30 = tpu.memref_slice %arg6[%dma_wait3A_28, %dma_wait3A_29] : memref<100000x32xf32, #tpu.memory_space<hbm>> -> memref<256x32xf32, #tpu.memory_space<hbm>>
      %dma_wait3A_31 = arith.constant 0 : i32
      %dma_wait3A_32 = arith.constant 0 : i32
      %dma_wait3A_33 = tpu.memref_slice %arg6[%dma_wait3A_31, %dma_wait3A_32] : memref<100000x32xf32, #tpu.memory_space<hbm>> -> memref<256x32xf32, #tpu.memory_space<hbm>>
      tpu.wait_dma2 semaphore(%arg17 : memref<!tpu.dma_semaphore, #tpu.memory_space<semaphore_mem>>) src(%dma_wait3A_33 : memref<256x32xf32, #tpu.memory_space<hbm>>) dst(%arg14 : memref<256x32xf32, #tpu.memory_space<vmem>>)
      %scan3A_34 = arith.constant 0 : i32
      %scan3A_35 = arith.constant 0 : i32
      %scan3A_36 = arith.constant 16 : i32
      %scan3A_37 = arith.addi %scan3A_35, %scan3A_36 : i32
      %scan3A_38 = arith.constant 1 : i32
      scf.for %scan3A_40 = %scan3A_35 to %scan3A_37 step %scan3A_38  : i32 {
        %mul3A_41 = arith.constant 16 : i32
        %mul3A_42 = arith.muli %scan3A_40, %mul3A_41 : i32
        %multiple_of3A_43 = tpu.assume_multiple %mul3A_42, 16 : i32
        %add3A_44 = vector.broadcast %multiple_of3A_43 : i32 to vector<16xi32>
        %add3A_45 = arith.addi %add3A_44, %iota3A : vector<16xi32>
        %broadcast_in_dim3A = arith.constant 0.000000e+00 : f32
        %broadcast_in_dim3A_46 = vector.broadcast %broadcast_in_dim3A : f32 to vector<16xf32>
        %broadcast_in_dim3A_47 = arith.constant 0.000000e+00 : f32
        %broadcast_in_dim3A_48 = vector.broadcast %broadcast_in_dim3A_47 : f32 to vector<16xf32>
        %broadcast_in_dim3A_49 = arith.constant 0 : i32
        %broadcast_in_dim3A_50 = vector.broadcast %broadcast_in_dim3A_49 : i32 to vector<16xi32>
        %gather3A = tpu.vector_load_idx %arg12[%add3A_45, %broadcast_in_dim3A_50] : memref<256x32xf32, #tpu.memory_space<vmem>>[vector<16xi32>, vector<16xi32>], vector<16xf32>,
        %gather3A_51 = tpu.vector_load_idx %arg13[%add3A_45, %broadcast_in_dim3A_50] : memref<256x32xf32, #tpu.memory_space<vmem>>[vector<16xi32>, vector<16xi32>], vector<16xf32>,
        %gather3A_52 = tpu.vector_load_idx %arg14[%add3A_45, %broadcast_in_dim3A_50] : memref<256x32xf32, #tpu.memory_space<vmem>>[vector<16xi32>, vector<16xi32>], vector<16xf32>,
        %mul3A_53 = arith.mulf %gather3A, %gather3A_51 : vector<16xf32>
        %add3A_54 = arith.addf %broadcast_in_dim3A_46, %mul3A_53 : vector<16xf32>
        %mul3A_55 = arith.mulf %gather3A, %gather3A_52 : vector<16xf32>
        %add3A_56 = arith.addf %broadcast_in_dim3A_48, %mul3A_55 : vector<16xf32>
        %broadcast_in_dim3A_57 = arith.constant 1 : i32
        %broadcast_in_dim3A_58 = vector.broadcast %broadcast_in_dim3A_57 : i32 to vector<16xi32>
        %gather3A_59 = tpu.vector_load_idx %arg12[%add3A_45, %broadcast_in_dim3A_58] : memref<256x32xf32, #tpu.memory_space<vmem>>[vector<16xi32>, vector<16xi32>], vector<16xf32>,
        %gather3A_60 = tpu.vector_load_idx %arg13[%add3A_45, %broadcast_in_dim3A_58] : memref<256x32xf32, #tpu.memory_space<vmem>>[vector<16xi32>, vector<16xi32>], vector<16xf32>,
        %gather3A_61 = tpu.vector_load_idx %arg14[%add3A_45, %broadcast_in_dim3A_58] : memref<256x32xf32, #tpu.memory_space<vmem>>[vector<16xi32>, vector<16xi32>], vector<16xf32>,
        %mul3A_62 = arith.mulf %gather3A_59, %gather3A_60 : vector<16xf32>
        %add3A_63 = arith.addf %add3A_54, %mul3A_62 : vector<16xf32>
        %mul3A_64 = arith.mulf %gather3A_59, %gather3A_61 : vector<16xf32>
        %add3A_65 = arith.addf %add3A_56, %mul3A_64 : vector<16xf32>
        %broadcast_in_dim3A_66 = arith.constant 2 : i32
        %broadcast_in_dim3A_67 = vector.broadcast %broadcast_in_dim3A_66 : i32 to vector<16xi32>
        %gather3A_68 = tpu.vector_load_idx %arg12[%add3A_45, %broadcast_in_dim3A_67] : memref<256x32xf32, #tpu.memory_space<vmem>>[vector<16xi32>, vector<16xi32>], vector<16xf32>,
        %gather3A_69 = tpu.vector_load_idx %arg13[%add3A_45, %broadcast_in_dim3A_67] : memref<256x32xf32, #tpu.memory_space<vmem>>[vector<16xi32>, vector<16xi32>], vector<16xf32>,
        %gather3A_70 = tpu.vector_load_idx %arg14[%add3A_45, %broadcast_in_dim3A_67] : memref<256x32xf32, #tpu.memory_space<vmem>>[vector<16xi32>, vector<16xi32>], vector<16xf32>,
        %mul3A_71 = arith.mulf %gather3A_68, %gather3A_69 : vector<16xf32>
        %add3A_72 = arith.addf %add3A_63, %mul3A_71 : vector<16xf32>
        %mul3A_73 = arith.mulf %gather3A_68, %gather3A_70 : vector<16xf32>
        %add3A_74 = arith.addf %add3A_65, %mul3A_73 : vector<16xf32>
        %broadcast_in_dim3A_75 = arith.constant 3 : i32
        %broadcast_in_dim3A_76 = vector.broadcast %broadcast_in_dim3A_75 : i32 to vector<16xi32>
        %gather3A_77 = tpu.vector_load_idx %arg12[%add3A_45, %broadcast_in_dim3A_76] : memref<256x32xf32, #tpu.memory_space<vmem>>[vector<16xi32>, vector<16xi32>], vector<16xf32>,
        %gather3A_78 = tpu.vector_load_idx %arg13[%add3A_45, %broadcast_in_dim3A_76] : memref<256x32xf32, #tpu.memory_space<vmem>>[vector<16xi32>, vector<16xi32>], vector<16xf32>,
        %gather3A_79 = tpu.vector_load_idx %arg14[%add3A_45, %broadcast_in_dim3A_76] : memref<256x32xf32, #tpu.memory_space<vmem>>[vector<16xi32>, vector<16xi32>], vector<16xf32>,
        %mul3A_80 = arith.mulf %gather3A_77, %gather3A_78 : vector<16xf32>
        %add3A_81 = arith.addf %add3A_72, %mul3A_80 : vector<16xf32>
        %mul3A_82 = arith.mulf %gather3A_77, %gather3A_79 : vector<16xf32>
        %add3A_83 = arith.addf %add3A_74, %mul3A_82 : vector<16xf32>
        %broadcast_in_dim3A_84 = arith.constant 4 : i32
        %broadcast_in_dim3A_85 = vector.broadcast %broadcast_in_dim3A_84 : i32 to vector<16xi32>
        %gather3A_86 = tpu.vector_load_idx %arg12[%add3A_45, %broadcast_in_dim3A_85] : memref<256x32xf32, #tpu.memory_space<vmem>>[vector<16xi32>, vector<16xi32>], vector<16xf32>,
        %gather3A_87 = tpu.vector_load_idx %arg13[%add3A_45, %broadcast_in_dim3A_85] : memref<256x32xf32, #tpu.memory_space<vmem>>[vector<16xi32>, vector<16xi32>], vector<16xf32>,
        %gather3A_88 = tpu.vector_load_idx %arg14[%add3A_45, %broadcast_in_dim3A_85] : memref<256x32xf32, #tpu.memory_space<vmem>>[vector<16xi32>, vector<16xi32>], vector<16xf32>,
        %mul3A_89 = arith.mulf %gather3A_86, %gather3A_87 : vector<16xf32>
        %add3A_90 = arith.addf %add3A_81, %mul3A_89 : vector<16xf32>
        %mul3A_91 = arith.mulf %gather3A_86, %gather3A_88 : vector<16xf32>
        %add3A_92 = arith.addf %add3A_83, %mul3A_91 : vector<16xf32>
        %broadcast_in_dim3A_93 = arith.constant 5 : i32
        %broadcast_in_dim3A_94 = vector.broadcast %broadcast_in_dim3A_93 : i32 to vector<16xi32>
        %gather3A_95 = tpu.vector_load_idx %arg12[%add3A_45, %broadcast_in_dim3A_94] : memref<256x32xf32, #tpu.memory_space<vmem>>[vector<16xi32>, vector<16xi32>], vector<16xf32>,
        %gather3A_96 = tpu.vector_load_idx %arg13[%add3A_45, %broadcast_in_dim3A_94] : memref<256x32xf32, #tpu.memory_space<vmem>>[vector<16xi32>, vector<16xi32>], vector<16xf32>,
        %gather3A_97 = tpu.vector_load_idx %arg14[%add3A_45, %broadcast_in_dim3A_94] : memref<256x32xf32, #tpu.memory_space<vmem>>[vector<16xi32>, vector<16xi32>], vector<16xf32>,
        %mul3A_98 = arith.mulf %gather3A_95, %gather3A_96 : vector<16xf32>
        %add3A_99 = arith.addf %add3A_90, %mul3A_98 : vector<16xf32>
        %mul3A_100 = arith.mulf %gather3A_95, %gather3A_97 : vector<16xf32>
        %add3A_101 = arith.addf %add3A_92, %mul3A_100 : vector<16xf32>
        %broadcast_in_dim3A_102 = arith.constant 6 : i32
        %broadcast_in_dim3A_103 = vector.broadcast %broadcast_in_dim3A_102 : i32 to vector<16xi32>
        %gather3A_104 = tpu.vector_load_idx %arg12[%add3A_45, %broadcast_in_dim3A_103] : memref<256x32xf32, #tpu.memory_space<vmem>>[vector<16xi32>, vector<16xi32>], vector<16xf32>,
        %gather3A_105 = tpu.vector_load_idx %arg13[%add3A_45, %broadcast_in_dim3A_103] : memref<256x32xf32, #tpu.memory_space<vmem>>[vector<16xi32>, vector<16xi32>], vector<16xf32>,
        %gather3A_106 = tpu.vector_load_idx %arg14[%add3A_45, %broadcast_in_dim3A_103] : memref<256x32xf32, #tpu.memory_space<vmem>>[vector<16xi32>, vector<16xi32>], vector<16xf32>,
        %mul3A_107 = arith.mulf %gather3A_104, %gather3A_105 : vector<16xf32>
        %add3A_108 = arith.addf %add3A_99, %mul3A_107 : vector<16xf32>
        %mul3A_109 = arith.mulf %gather3A_104, %gather3A_106 : vector<16xf32>
        %add3A_110 = arith.addf %add3A_101, %mul3A_109 : vector<16xf32>
        %broadcast_in_dim3A_111 = arith.constant 7 : i32
        %broadcast_in_dim3A_112 = vector.broadcast %broadcast_in_dim3A_111 : i32 to vector<16xi32>
        %gather3A_113 = tpu.vector_load_idx %arg12[%add3A_45, %broadcast_in_dim3A_112] : memref<256x32xf32, #tpu.memory_space<vmem>>[vector<16xi32>, vector<16xi32>], vector<16xf32>,
        %gather3A_114 = tpu.vector_load_idx %arg13[%add3A_45, %broadcast_in_dim3A_112] : memref<256x32xf32, #tpu.memory_space<vmem>>[vector<16xi32>, vector<16xi32>], vector<16xf32>,
        %gather3A_115 = tpu.vector_load_idx %arg14[%add3A_45, %broadcast_in_dim3A_112] : memref<256x32xf32, #tpu.memory_space<vmem>>[vector<16xi32>, vector<16xi32>], vector<16xf32>,
        %mul3A_116 = arith.mulf %gather3A_113, %gather3A_114 : vector<16xf32>
        %add3A_117 = arith.addf %add3A_108, %mul3A_116 : vector<16xf32>
        %mul3A_118 = arith.mulf %gather3A_113, %gather3A_115 : vector<16xf32>
        %add3A_119 = arith.addf %add3A_110, %mul3A_118 : vector<16xf32>
        %broadcast_in_dim3A_120 = arith.constant 8 : i32
        %broadcast_in_dim3A_121 = vector.broadcast %broadcast_in_dim3A_120 : i32 to vector<16xi32>
        %gather3A_122 = tpu.vector_load_idx %arg12[%add3A_45, %broadcast_in_dim3A_121] : memref<256x32xf32, #tpu.memory_space<vmem>>[vector<16xi32>, vector<16xi32>], vector<16xf32>,
        %gather3A_123 = tpu.vector_load_idx %arg13[%add3A_45, %broadcast_in_dim3A_121] : memref<256x32xf32, #tpu.memory_space<vmem>>[vector<16xi32>, vector<16xi32>], vector<16xf32>,
        %gather3A_124 = tpu.vector_load_idx %arg14[%add3A_45, %broadcast_in_dim3A_121] : memref<256x32xf32, #tpu.memory_space<vmem>>[vector<16xi32>, vector<16xi32>], vector<16xf32>,
        %mul3A_125 = arith.mulf %gather3A_122, %gather3A_123 : vector<16xf32>
        %add3A_126 = arith.addf %add3A_117, %mul3A_125 : vector<16xf32>
        %mul3A_127 = arith.mulf %gather3A_122, %gather3A_124 : vector<16xf32>
        %add3A_128 = arith.addf %add3A_119, %mul3A_127 : vector<16xf32>
        %broadcast_in_dim3A_129 = arith.constant 9 : i32
        %broadcast_in_dim3A_130 = vector.broadcast %broadcast_in_dim3A_129 : i32 to vector<16xi32>
        %gather3A_131 = tpu.vector_load_idx %arg12[%add3A_45, %broadcast_in_dim3A_130] : memref<256x32xf32, #tpu.memory_space<vmem>>[vector<16xi32>, vector<16xi32>], vector<16xf32>,
        %gather3A_132 = tpu.vector_load_idx %arg13[%add3A_45, %broadcast_in_dim3A_130] : memref<256x32xf32, #tpu.memory_space<vmem>>[vector<16xi32>, vector<16xi32>], vector<16xf32>,
        %gather3A_133 = tpu.vector_load_idx %arg14[%add3A_45, %broadcast_in_dim3A_130] : memref<256x32xf32, #tpu.memory_space<vmem>>[vector<16xi32>, vector<16xi32>], vector<16xf32>,
        %mul3A_134 = arith.mulf %gather3A_131, %gather3A_132 : vector<16xf32>
        %add3A_135 = arith.addf %add3A_126, %mul3A_134 : vector<16xf32>
        %mul3A_136 = arith.mulf %gather3A_131, %gather3A_133 : vector<16xf32>
        %add3A_137 = arith.addf %add3A_128, %mul3A_136 : vector<16xf32>
        %broadcast_in_dim3A_138 = arith.constant 10 : i32
        %broadcast_in_dim3A_139 = vector.broadcast %broadcast_in_dim3A_138 : i32 to vector<16xi32>
        %gather3A_140 = tpu.vector_load_idx %arg12[%add3A_45, %broadcast_in_dim3A_139] : memref<256x32xf32, #tpu.memory_space<vmem>>[vector<16xi32>, vector<16xi32>], vector<16xf32>,
        %gather3A_141 = tpu.vector_load_idx %arg13[%add3A_45, %broadcast_in_dim3A_139] : memref<256x32xf32, #tpu.memory_space<vmem>>[vector<16xi32>, vector<16xi32>], vector<16xf32>,
        %gather3A_142 = tpu.vector_load_idx %arg14[%add3A_45, %broadcast_in_dim3A_139] : memref<256x32xf32, #tpu.memory_space<vmem>>[vector<16xi32>, vector<16xi32>], vector<16xf32>,
        %mul3A_143 = arith.mulf %gather3A_140, %gather3A_141 : vector<16xf32>
        %add3A_144 = arith.addf %add3A_135, %mul3A_143 : vector<16xf32>
        %mul3A_145 = arith.mulf %gather3A_140, %gather3A_142 : vector<16xf32>
        %add3A_146 = arith.addf %add3A_137, %mul3A_145 : vector<16xf32>
        %broadcast_in_dim3A_147 = arith.constant 11 : i32
        %broadcast_in_dim3A_148 = vector.broadcast %broadcast_in_dim3A_147 : i32 to vector<16xi32>
        %gather3A_149 = tpu.vector_load_idx %arg12[%add3A_45, %broadcast_in_dim3A_148] : memref<256x32xf32, #tpu.memory_space<vmem>>[vector<16xi32>, vector<16xi32>], vector<16xf32>,
        %gather3A_150 = tpu.vector_load_idx %arg13[%add3A_45, %broadcast_in_dim3A_148] : memref<256x32xf32, #tpu.memory_space<vmem>>[vector<16xi32>, vector<16xi32>], vector<16xf32>,
        %gather3A_151 = tpu.vector_load_idx %arg14[%add3A_45, %broadcast_in_dim3A_148] : memref<256x32xf32, #tpu.memory_space<vmem>>[vector<16xi32>, vector<16xi32>], vector<16xf32>,
        %mul3A_152 = arith.mulf %gather3A_149, %gather3A_150 : vector<16xf32>
        %add3A_153 = arith.addf %add3A_144, %mul3A_152 : vector<16xf32>
        %mul3A_154 = arith.mulf %gather3A_149, %gather3A_151 : vector<16xf32>
        %add3A_155 = arith.addf %add3A_146, %mul3A_154 : vector<16xf32>
        %broadcast_in_dim3A_156 = arith.constant 12 : i32
        %broadcast_in_dim3A_157 = vector.broadcast %broadcast_in_dim3A_156 : i32 to vector<16xi32>
        %gather3A_158 = tpu.vector_load_idx %arg12[%add3A_45, %broadcast_in_dim3A_157] : memref<256x32xf32, #tpu.memory_space<vmem>>[vector<16xi32>, vector<16xi32>], vector<16xf32>,
        %gather3A_159 = tpu.vector_load_idx %arg13[%add3A_45, %broadcast_in_dim3A_157] : memref<256x32xf32, #tpu.memory_space<vmem>>[vector<16xi32>, vector<16xi32>], vector<16xf32>,
        %gather3A_160 = tpu.vector_load_idx %arg14[%add3A_45, %broadcast_in_dim3A_157] : memref<256x32xf32, #tpu.memory_space<vmem>>[vector<16xi32>, vector<16xi32>], vector<16xf32>,
        %mul3A_161 = arith.mulf %gather3A_158, %gather3A_159 : vector<16xf32>
        %add3A_162 = arith.addf %add3A_153, %mul3A_161 : vector<16xf32>
        %mul3A_163 = arith.mulf %gather3A_158, %gather3A_160 : vector<16xf32>
        %add3A_164 = arith.addf %add3A_155, %mul3A_163 : vector<16xf32>
        %broadcast_in_dim3A_165 = arith.constant 13 : i32
        %broadcast_in_dim3A_166 = vector.broadcast %broadcast_in_dim3A_165 : i32 to vector<16xi32>
        %gather3A_167 = tpu.vector_load_idx %arg12[%add3A_45, %broadcast_in_dim3A_166] : memref<256x32xf32, #tpu.memory_space<vmem>>[vector<16xi32>, vector<16xi32>], vector<16xf32>,
        %gather3A_168 = tpu.vector_load_idx %arg13[%add3A_45, %broadcast_in_dim3A_166] : memref<256x32xf32, #tpu.memory_space<vmem>>[vector<16xi32>, vector<16xi32>], vector<16xf32>,
        %gather3A_169 = tpu.vector_load_idx %arg14[%add3A_45, %broadcast_in_dim3A_166] : memref<256x32xf32, #tpu.memory_space<vmem>>[vector<16xi32>, vector<16xi32>], vector<16xf32>,
        %mul3A_170 = arith.mulf %gather3A_167, %gather3A_168 : vector<16xf32>
        %add3A_171 = arith.addf %add3A_162, %mul3A_170 : vector<16xf32>
        %mul3A_172 = arith.mulf %gather3A_167, %gather3A_169 : vector<16xf32>
        %add3A_173 = arith.addf %add3A_164, %mul3A_172 : vector<16xf32>
        %broadcast_in_dim3A_174 = arith.constant 14 : i32
        %broadcast_in_dim3A_175 = vector.broadcast %broadcast_in_dim3A_174 : i32 to vector<16xi32>
        %gather3A_176 = tpu.vector_load_idx %arg12[%add3A_45, %broadcast_in_dim3A_175] : memref<256x32xf32, #tpu.memory_space<vmem>>[vector<16xi32>, vector<16xi32>], vector<16xf32>,
        %gather3A_177 = tpu.vector_load_idx %arg13[%add3A_45, %broadcast_in_dim3A_175] : memref<256x32xf32, #tpu.memory_space<vmem>>[vector<16xi32>, vector<16xi32>], vector<16xf32>,
        %gather3A_178 = tpu.vector_load_idx %arg14[%add3A_45, %broadcast_in_dim3A_175] : memref<256x32xf32, #tpu.memory_space<vmem>>[vector<16xi32>, vector<16xi32>], vector<16xf32>,
        %mul3A_179 = arith.mulf %gather3A_176, %gather3A_177 : vector<16xf32>
        %add3A_180 = arith.addf %add3A_171, %mul3A_179 : vector<16xf32>
        %mul3A_181 = arith.mulf %gather3A_176, %gather3A_178 : vector<16xf32>
        %add3A_182 = arith.addf %add3A_173, %mul3A_181 : vector<16xf32>
        %broadcast_in_dim3A_183 = arith.constant 15 : i32
        %broadcast_in_dim3A_184 = vector.broadcast %broadcast_in_dim3A_183 : i32 to vector<16xi32>
        %gather3A_185 = tpu.vector_load_idx %arg12[%add3A_45, %broadcast_in_dim3A_184] : memref<256x32xf32, #tpu.memory_space<vmem>>[vector<16xi32>, vector<16xi32>], vector<16xf32>,
        %gather3A_186 = tpu.vector_load_idx %arg13[%add3A_45, %broadcast_in_dim3A_184] : memref<256x32xf32, #tpu.memory_space<vmem>>[vector<16xi32>, vector<16xi32>], vector<16xf32>,
        %gather3A_187 = tpu.vector_load_idx %arg14[%add3A_45, %broadcast_in_dim3A_184] : memref<256x32xf32, #tpu.memory_space<vmem>>[vector<16xi32>, vector<16xi32>], vector<16xf32>,
        %mul3A_188 = arith.mulf %gather3A_185, %gather3A_186 : vector<16xf32>
        %add3A_189 = arith.addf %add3A_180, %mul3A_188 : vector<16xf32>
        %mul3A_190 = arith.mulf %gather3A_185, %gather3A_187 : vector<16xf32>
        %add3A_191 = arith.addf %add3A_182, %mul3A_190 : vector<16xf32>
        %broadcast_in_dim3A_192 = arith.constant 16 : i32
        %broadcast_in_dim3A_193 = vector.broadcast %broadcast_in_dim3A_192 : i32 to vector<16xi32>
        %gather3A_194 = tpu.vector_load_idx %arg12[%add3A_45, %broadcast_in_dim3A_193] : memref<256x32xf32, #tpu.memory_space<vmem>>[vector<16xi32>, vector<16xi32>], vector<16xf32>,
        %gather3A_195 = tpu.vector_load_idx %arg13[%add3A_45, %broadcast_in_dim3A_193] : memref<256x32xf32, #tpu.memory_space<vmem>>[vector<16xi32>, vector<16xi32>], vector<16xf32>,
        %gather3A_196 = tpu.vector_load_idx %arg14[%add3A_45, %broadcast_in_dim3A_193] : memref<256x32xf32, #tpu.memory_space<vmem>>[vector<16xi32>, vector<16xi32>], vector<16xf32>,
        %mul3A_197 = arith.mulf %gather3A_194, %gather3A_195 : vector<16xf32>
        %add3A_198 = arith.addf %add3A_189, %mul3A_197 : vector<16xf32>
        %mul3A_199 = arith.mulf %gather3A_194, %gather3A_196 : vector<16xf32>
        %add3A_200 = arith.addf %add3A_191, %mul3A_199 : vector<16xf32>
        %broadcast_in_dim3A_201 = arith.constant 17 : i32
        %broadcast_in_dim3A_202 = vector.broadcast %broadcast_in_dim3A_201 : i32 to vector<16xi32>
        %gather3A_203 = tpu.vector_load_idx %arg12[%add3A_45, %broadcast_in_dim3A_202] : memref<256x32xf32, #tpu.memory_space<vmem>>[vector<16xi32>, vector<16xi32>], vector<16xf32>,
        %gather3A_204 = tpu.vector_load_idx %arg13[%add3A_45, %broadcast_in_dim3A_202] : memref<256x32xf32, #tpu.memory_space<vmem>>[vector<16xi32>, vector<16xi32>], vector<16xf32>,
        %gather3A_205 = tpu.vector_load_idx %arg14[%add3A_45, %broadcast_in_dim3A_202] : memref<256x32xf32, #tpu.memory_space<vmem>>[vector<16xi32>, vector<16xi32>], vector<16xf32>,
        %mul3A_206 = arith.mulf %gather3A_203, %gather3A_204 : vector<16xf32>
        %add3A_207 = arith.addf %add3A_198, %mul3A_206 : vector<16xf32>
        %mul3A_208 = arith.mulf %gather3A_203, %gather3A_205 : vector<16xf32>
        %add3A_209 = arith.addf %add3A_200, %mul3A_208 : vector<16xf32>
        %broadcast_in_dim3A_210 = arith.constant 18 : i32
        %broadcast_in_dim3A_211 = vector.broadcast %broadcast_in_dim3A_210 : i32 to vector<16xi32>
        %gather3A_212 = tpu.vector_load_idx %arg12[%add3A_45, %broadcast_in_dim3A_211] : memref<256x32xf32, #tpu.memory_space<vmem>>[vector<16xi32>, vector<16xi32>], vector<16xf32>,
        %gather3A_213 = tpu.vector_load_idx %arg13[%add3A_45, %broadcast_in_dim3A_211] : memref<256x32xf32, #tpu.memory_space<vmem>>[vector<16xi32>, vector<16xi32>], vector<16xf32>,
        %gather3A_214 = tpu.vector_load_idx %arg14[%add3A_45, %broadcast_in_dim3A_211] : memref<256x32xf32, #tpu.memory_space<vmem>>[vector<16xi32>, vector<16xi32>], vector<16xf32>,
        %mul3A_215 = arith.mulf %gather3A_212, %gather3A_213 : vector<16xf32>
        %add3A_216 = arith.addf %add3A_207, %mul3A_215 : vector<16xf32>
        %mul3A_217 = arith.mulf %gather3A_212, %gather3A_214 : vector<16xf32>
        %add3A_218 = arith.addf %add3A_209, %mul3A_217 : vector<16xf32>
        %broadcast_in_dim3A_219 = arith.constant 19 : i32
        %broadcast_in_dim3A_220 = vector.broadcast %broadcast_in_dim3A_219 : i32 to vector<16xi32>
        %gather3A_221 = tpu.vector_load_idx %arg12[%add3A_45, %broadcast_in_dim3A_220] : memref<256x32xf32, #tpu.memory_space<vmem>>[vector<16xi32>, vector<16xi32>], vector<16xf32>,
        %gather3A_222 = tpu.vector_load_idx %arg13[%add3A_45, %broadcast_in_dim3A_220] : memref<256x32xf32, #tpu.memory_space<vmem>>[vector<16xi32>, vector<16xi32>], vector<16xf32>,
        %gather3A_223 = tpu.vector_load_idx %arg14[%add3A_45, %broadcast_in_dim3A_220] : memref<256x32xf32, #tpu.memory_space<vmem>>[vector<16xi32>, vector<16xi32>], vector<16xf32>,
        %mul3A_224 = arith.mulf %gather3A_221, %gather3A_222 : vector<16xf32>
        %add3A_225 = arith.addf %add3A_216, %mul3A_224 : vector<16xf32>
        %mul3A_226 = arith.mulf %gather3A_221, %gather3A_223 : vector<16xf32>
        %add3A_227 = arith.addf %add3A_218, %mul3A_226 : vector<16xf32>
        %broadcast_in_dim3A_228 = arith.constant 20 : i32
        %broadcast_in_dim3A_229 = vector.broadcast %broadcast_in_dim3A_228 : i32 to vector<16xi32>
        %gather3A_230 = tpu.vector_load_idx %arg12[%add3A_45, %broadcast_in_dim3A_229] : memref<256x32xf32, #tpu.memory_space<vmem>>[vector<16xi32>, vector<16xi32>], vector<16xf32>,
        %gather3A_231 = tpu.vector_load_idx %arg13[%add3A_45, %broadcast_in_dim3A_229] : memref<256x32xf32, #tpu.memory_space<vmem>>[vector<16xi32>, vector<16xi32>], vector<16xf32>,
        %gather3A_232 = tpu.vector_load_idx %arg14[%add3A_45, %broadcast_in_dim3A_229] : memref<256x32xf32, #tpu.memory_space<vmem>>[vector<16xi32>, vector<16xi32>], vector<16xf32>,
        %mul3A_233 = arith.mulf %gather3A_230, %gather3A_231 : vector<16xf32>
        %add3A_234 = arith.addf %add3A_225, %mul3A_233 : vector<16xf32>
        %mul3A_235 = arith.mulf %gather3A_230, %gather3A_232 : vector<16xf32>
        %add3A_236 = arith.addf %add3A_227, %mul3A_235 : vector<16xf32>
        %broadcast_in_dim3A_237 = arith.constant 21 : i32
        %broadcast_in_dim3A_238 = vector.broadcast %broadcast_in_dim3A_237 : i32 to vector<16xi32>
        %gather3A_239 = tpu.vector_load_idx %arg12[%add3A_45, %broadcast_in_dim3A_238] : memref<256x32xf32, #tpu.memory_space<vmem>>[vector<16xi32>, vector<16xi32>], vector<16xf32>,
        %gather3A_240 = tpu.vector_load_idx %arg13[%add3A_45, %broadcast_in_dim3A_238] : memref<256x32xf32, #tpu.memory_space<vmem>>[vector<16xi32>, vector<16xi32>], vector<16xf32>,
        %gather3A_241 = tpu.vector_load_idx %arg14[%add3A_45, %broadcast_in_dim3A_238] : memref<256x32xf32, #tpu.memory_space<vmem>>[vector<16xi32>, vector<16xi32>], vector<16xf32>,
        %mul3A_242 = arith.mulf %gather3A_239, %gather3A_240 : vector<16xf32>
        %add3A_243 = arith.addf %add3A_234, %mul3A_242 : vector<16xf32>
        %mul3A_244 = arith.mulf %gather3A_239, %gather3A_241 : vector<16xf32>
        %add3A_245 = arith.addf %add3A_236, %mul3A_244 : vector<16xf32>
        %broadcast_in_dim3A_246 = arith.constant 22 : i32
        %broadcast_in_dim3A_247 = vector.broadcast %broadcast_in_dim3A_246 : i32 to vector<16xi32>
        %gather3A_248 = tpu.vector_load_idx %arg12[%add3A_45, %broadcast_in_dim3A_247] : memref<256x32xf32, #tpu.memory_space<vmem>>[vector<16xi32>, vector<16xi32>], vector<16xf32>,
        %gather3A_249 = tpu.vector_load_idx %arg13[%add3A_45, %broadcast_in_dim3A_247] : memref<256x32xf32, #tpu.memory_space<vmem>>[vector<16xi32>, vector<16xi32>], vector<16xf32>,
        %gather3A_250 = tpu.vector_load_idx %arg14[%add3A_45, %broadcast_in_dim3A_247] : memref<256x32xf32, #tpu.memory_space<vmem>>[vector<16xi32>, vector<16xi32>], vector<16xf32>,
        %mul3A_251 = arith.mulf %gather3A_248, %gather3A_249 : vector<16xf32>
        %add3A_252 = arith.addf %add3A_243, %mul3A_251 : vector<16xf32>
        %mul3A_253 = arith.mulf %gather3A_248, %gather3A_250 : vector<16xf32>
        %add3A_254 = arith.addf %add3A_245, %mul3A_253 : vector<16xf32>
        %broadcast_in_dim3A_255 = arith.constant 23 : i32
        %broadcast_in_dim3A_256 = vector.broadcast %broadcast_in_dim3A_255 : i32 to vector<16xi32>
        %gather3A_257 = tpu.vector_load_idx %arg12[%add3A_45, %broadcast_in_dim3A_256] : memref<256x32xf32, #tpu.memory_space<vmem>>[vector<16xi32>, vector<16xi32>], vector<16xf32>,
        %gather3A_258 = tpu.vector_load_idx %arg13[%add3A_45, %broadcast_in_dim3A_256] : memref<256x32xf32, #tpu.memory_space<vmem>>[vector<16xi32>, vector<16xi32>], vector<16xf32>,
        %gather3A_259 = tpu.vector_load_idx %arg14[%add3A_45, %broadcast_in_dim3A_256] : memref<256x32xf32, #tpu.memory_space<vmem>>[vector<16xi32>, vector<16xi32>], vector<16xf32>,
        %mul3A_260 = arith.mulf %gather3A_257, %gather3A_258 : vector<16xf32>
        %add3A_261 = arith.addf %add3A_252, %mul3A_260 : vector<16xf32>
        %mul3A_262 = arith.mulf %gather3A_257, %gather3A_259 : vector<16xf32>
        %add3A_263 = arith.addf %add3A_254, %mul3A_262 : vector<16xf32>
        %broadcast_in_dim3A_264 = arith.constant 24 : i32
        %broadcast_in_dim3A_265 = vector.broadcast %broadcast_in_dim3A_264 : i32 to vector<16xi32>
        %gather3A_266 = tpu.vector_load_idx %arg12[%add3A_45, %broadcast_in_dim3A_265] : memref<256x32xf32, #tpu.memory_space<vmem>>[vector<16xi32>, vector<16xi32>], vector<16xf32>,
        %gather3A_267 = tpu.vector_load_idx %arg13[%add3A_45, %broadcast_in_dim3A_265] : memref<256x32xf32, #tpu.memory_space<vmem>>[vector<16xi32>, vector<16xi32>], vector<16xf32>,
        %gather3A_268 = tpu.vector_load_idx %arg14[%add3A_45, %broadcast_in_dim3A_265] : memref<256x32xf32, #tpu.memory_space<vmem>>[vector<16xi32>, vector<16xi32>], vector<16xf32>,
        %mul3A_269 = arith.mulf %gather3A_266, %gather3A_267 : vector<16xf32>
        %add3A_270 = arith.addf %add3A_261, %mul3A_269 : vector<16xf32>
        %mul3A_271 = arith.mulf %gather3A_266, %gather3A_268 : vector<16xf32>
        %add3A_272 = arith.addf %add3A_263, %mul3A_271 : vector<16xf32>
        %broadcast_in_dim3A_273 = arith.constant 25 : i32
        %broadcast_in_dim3A_274 = vector.broadcast %broadcast_in_dim3A_273 : i32 to vector<16xi32>
        %gather3A_275 = tpu.vector_load_idx %arg12[%add3A_45, %broadcast_in_dim3A_274] : memref<256x32xf32, #tpu.memory_space<vmem>>[vector<16xi32>, vector<16xi32>], vector<16xf32>,
        %gather3A_276 = tpu.vector_load_idx %arg13[%add3A_45, %broadcast_in_dim3A_274] : memref<256x32xf32, #tpu.memory_space<vmem>>[vector<16xi32>, vector<16xi32>], vector<16xf32>,
        %gather3A_277 = tpu.vector_load_idx %arg14[%add3A_45, %broadcast_in_dim3A_274] : memref<256x32xf32, #tpu.memory_space<vmem>>[vector<16xi32>, vector<16xi32>], vector<16xf32>,
        %mul3A_278 = arith.mulf %gather3A_275, %gather3A_276 : vector<16xf32>
        %add3A_279 = arith.addf %add3A_270, %mul3A_278 : vector<16xf32>
        %mul3A_280 = arith.mulf %gather3A_275, %gather3A_277 : vector<16xf32>
        %add3A_281 = arith.addf %add3A_272, %mul3A_280 : vector<16xf32>
        %broadcast_in_dim3A_282 = arith.constant 26 : i32
        %broadcast_in_dim3A_283 = vector.broadcast %broadcast_in_dim3A_282 : i32 to vector<16xi32>
        %gather3A_284 = tpu.vector_load_idx %arg12[%add3A_45, %broadcast_in_dim3A_283] : memref<256x32xf32, #tpu.memory_space<vmem>>[vector<16xi32>, vector<16xi32>], vector<16xf32>,
        %gather3A_285 = tpu.vector_load_idx %arg13[%add3A_45, %broadcast_in_dim3A_283] : memref<256x32xf32, #tpu.memory_space<vmem>>[vector<16xi32>, vector<16xi32>], vector<16xf32>,
        %gather3A_286 = tpu.vector_load_idx %arg14[%add3A_45, %broadcast_in_dim3A_283] : memref<256x32xf32, #tpu.memory_space<vmem>>[vector<16xi32>, vector<16xi32>], vector<16xf32>,
        %mul3A_287 = arith.mulf %gather3A_284, %gather3A_285 : vector<16xf32>
        %add3A_288 = arith.addf %add3A_279, %mul3A_287 : vector<16xf32>
        %mul3A_289 = arith.mulf %gather3A_284, %gather3A_286 : vector<16xf32>
        %add3A_290 = arith.addf %add3A_281, %mul3A_289 : vector<16xf32>
        %broadcast_in_dim3A_291 = arith.constant 27 : i32
        %broadcast_in_dim3A_292 = vector.broadcast %broadcast_in_dim3A_291 : i32 to vector<16xi32>
        %gather3A_293 = tpu.vector_load_idx %arg12[%add3A_45, %broadcast_in_dim3A_292] : memref<256x32xf32, #tpu.memory_space<vmem>>[vector<16xi32>, vector<16xi32>], vector<16xf32>,
        %gather3A_294 = tpu.vector_load_idx %arg13[%add3A_45, %broadcast_in_dim3A_292] : memref<256x32xf32, #tpu.memory_space<vmem>>[vector<16xi32>, vector<16xi32>], vector<16xf32>,
        %gather3A_295 = tpu.vector_load_idx %arg14[%add3A_45, %broadcast_in_dim3A_292] : memref<256x32xf32, #tpu.memory_space<vmem>>[vector<16xi32>, vector<16xi32>], vector<16xf32>,
        %mul3A_296 = arith.mulf %gather3A_293, %gather3A_294 : vector<16xf32>
        %add3A_297 = arith.addf %add3A_288, %mul3A_296 : vector<16xf32>
        %mul3A_298 = arith.mulf %gather3A_293, %gather3A_295 : vector<16xf32>
        %add3A_299 = arith.addf %add3A_290, %mul3A_298 : vector<16xf32>
        %broadcast_in_dim3A_300 = arith.constant 28 : i32
        %broadcast_in_dim3A_301 = vector.broadcast %broadcast_in_dim3A_300 : i32 to vector<16xi32>
        %gather3A_302 = tpu.vector_load_idx %arg12[%add3A_45, %broadcast_in_dim3A_301] : memref<256x32xf32, #tpu.memory_space<vmem>>[vector<16xi32>, vector<16xi32>], vector<16xf32>,
        %gather3A_303 = tpu.vector_load_idx %arg13[%add3A_45, %broadcast_in_dim3A_301] : memref<256x32xf32, #tpu.memory_space<vmem>>[vector<16xi32>, vector<16xi32>], vector<16xf32>,
        %gather3A_304 = tpu.vector_load_idx %arg14[%add3A_45, %broadcast_in_dim3A_301] : memref<256x32xf32, #tpu.memory_space<vmem>>[vector<16xi32>, vector<16xi32>], vector<16xf32>,
        %mul3A_305 = arith.mulf %gather3A_302, %gather3A_303 : vector<16xf32>
        %add3A_306 = arith.addf %add3A_297, %mul3A_305 : vector<16xf32>
        %mul3A_307 = arith.mulf %gather3A_302, %gather3A_304 : vector<16xf32>
        %add3A_308 = arith.addf %add3A_299, %mul3A_307 : vector<16xf32>
        %broadcast_in_dim3A_309 = arith.constant 29 : i32
        %broadcast_in_dim3A_310 = vector.broadcast %broadcast_in_dim3A_309 : i32 to vector<16xi32>
        %gather3A_311 = tpu.vector_load_idx %arg12[%add3A_45, %broadcast_in_dim3A_310] : memref<256x32xf32, #tpu.memory_space<vmem>>[vector<16xi32>, vector<16xi32>], vector<16xf32>,
        %gather3A_312 = tpu.vector_load_idx %arg13[%add3A_45, %broadcast_in_dim3A_310] : memref<256x32xf32, #tpu.memory_space<vmem>>[vector<16xi32>, vector<16xi32>], vector<16xf32>,
        %gather3A_313 = tpu.vector_load_idx %arg14[%add3A_45, %broadcast_in_dim3A_310] : memref<256x32xf32, #tpu.memory_space<vmem>>[vector<16xi32>, vector<16xi32>], vector<16xf32>,
        %mul3A_314 = arith.mulf %gather3A_311, %gather3A_312 : vector<16xf32>
        %add3A_315 = arith.addf %add3A_306, %mul3A_314 : vector<16xf32>
        %mul3A_316 = arith.mulf %gather3A_311, %gather3A_313 : vector<16xf32>
        %add3A_317 = arith.addf %add3A_308, %mul3A_316 : vector<16xf32>
        %broadcast_in_dim3A_318 = arith.constant 30 : i32
        %broadcast_in_dim3A_319 = vector.broadcast %broadcast_in_dim3A_318 : i32 to vector<16xi32>
        %gather3A_320 = tpu.vector_load_idx %arg12[%add3A_45, %broadcast_in_dim3A_319] : memref<256x32xf32, #tpu.memory_space<vmem>>[vector<16xi32>, vector<16xi32>], vector<16xf32>,
        %gather3A_321 = tpu.vector_load_idx %arg13[%add3A_45, %broadcast_in_dim3A_319] : memref<256x32xf32, #tpu.memory_space<vmem>>[vector<16xi32>, vector<16xi32>], vector<16xf32>,
        %gather3A_322 = tpu.vector_load_idx %arg14[%add3A_45, %broadcast_in_dim3A_319] : memref<256x32xf32, #tpu.memory_space<vmem>>[vector<16xi32>, vector<16xi32>], vector<16xf32>,
        %mul3A_323 = arith.mulf %gather3A_320, %gather3A_321 : vector<16xf32>
        %add3A_324 = arith.addf %add3A_315, %mul3A_323 : vector<16xf32>
        %mul3A_325 = arith.mulf %gather3A_320, %gather3A_322 : vector<16xf32>
        %add3A_326 = arith.addf %add3A_317, %mul3A_325 : vector<16xf32>
        %broadcast_in_dim3A_327 = arith.constant 31 : i32
        %broadcast_in_dim3A_328 = vector.broadcast %broadcast_in_dim3A_327 : i32 to vector<16xi32>
        %gather3A_329 = tpu.vector_load_idx %arg12[%add3A_45, %broadcast_in_dim3A_328] : memref<256x32xf32, #tpu.memory_space<vmem>>[vector<16xi32>, vector<16xi32>], vector<16xf32>,
        %gather3A_330 = tpu.vector_load_idx %arg13[%add3A_45, %broadcast_in_dim3A_328] : memref<256x32xf32, #tpu.memory_space<vmem>>[vector<16xi32>, vector<16xi32>], vector<16xf32>,
        %gather3A_331 = tpu.vector_load_idx %arg14[%add3A_45, %broadcast_in_dim3A_328] : memref<256x32xf32, #tpu.memory_space<vmem>>[vector<16xi32>, vector<16xi32>], vector<16xf32>,
        %mul3A_332 = arith.mulf %gather3A_329, %gather3A_330 : vector<16xf32>
        %add3A_333 = arith.addf %add3A_324, %mul3A_332 : vector<16xf32>
        %mul3A_334 = arith.mulf %gather3A_329, %gather3A_331 : vector<16xf32>
        %add3A_335 = arith.addf %add3A_326, %mul3A_334 : vector<16xf32>
        %add3A_336 = arith.addi %multiple_of3A, %multiple_of3A_43 : i32
        %swap3A = arith.index_cast %add3A_336 : i32 to index
        %swap3A_337 = tpu.vector_load %arg15[%swap3A] {strides = array<i32>} : memref<512xf32, #tpu.memory_space<vmem>>, vector<16xf32>,
        tpu.vector_store %arg15[%swap3A], %add3A_333 {strides = array<i32>} : memref<512xf32, #tpu.memory_space<vmem>>, vector<16xf32>,
        %add3A_338 = arith.addi %multiple_of3A, %multiple_of3A_43 : i32
        %swap3A_339 = arith.index_cast %add3A_338 : i32 to index
        %swap3A_340 = tpu.vector_load %arg16[%swap3A_339] {strides = array<i32>} : memref<512xf32, #tpu.memory_space<vmem>>, vector<16xf32>,
        tpu.vector_store %arg16[%swap3A_339], %add3A_335 {strides = array<i32>} : memref<512xf32, #tpu.memory_space<vmem>>, vector<16xf32>,
      }
      %scan3A_39 = arith.constant 16 : i32
    }
    %scan3A_7 = arith.constant 2 : i32
    "tpu.region"() ({
      %run_scoped3A = tpu.sem_alloc : memref<!tpu.dma_semaphore, #tpu.memory_space<semaphore_mem>>
      %dma_start3A = tpu.memref_slice %arg7[%mul3A_2] : memref<16384xf32, #tpu.memory_space<hbm>> -> memref<512xf32, #tpu.memory_space<hbm>>
      %dma_start3A_8 = tpu.memref_slice %arg7[%mul3A_2] : memref<16384xf32, #tpu.memory_space<hbm>> -> memref<512xf32, #tpu.memory_space<hbm>>
      tpu.enqueue_dma source(%arg15 : memref<512xf32, #tpu.memory_space<vmem>>) target(%dma_start3A_8 : memref<512xf32, #tpu.memory_space<hbm>>) target_semaphore(%run_scoped3A : memref<!tpu.dma_semaphore, #tpu.memory_space<semaphore_mem>>)
      %dma_wait3A = tpu.memref_slice %arg7[%mul3A_2] : memref<16384xf32, #tpu.memory_space<hbm>> -> memref<512xf32, #tpu.memory_space<hbm>>
      %dma_wait3A_9 = tpu.memref_slice %arg7[%mul3A_2] : memref<16384xf32, #tpu.memory_space<hbm>> -> memref<512xf32, #tpu.memory_space<hbm>>
      tpu.wait_dma2 semaphore(%run_scoped3A : memref<!tpu.dma_semaphore, #tpu.memory_space<semaphore_mem>>) src(%arg15 : memref<512xf32, #tpu.memory_space<vmem>>) dst(%dma_wait3A_9 : memref<512xf32, #tpu.memory_space<hbm>>)
      tpu.yield
    }) : () -> ()
    "tpu.region"() ({
      %run_scoped3A = tpu.sem_alloc : memref<!tpu.dma_semaphore, #tpu.memory_space<semaphore_mem>>
      %dma_start3A = tpu.memref_slice %arg8[%mul3A_2] : memref<16384xf32, #tpu.memory_space<hbm>> -> memref<512xf32, #tpu.memory_space<hbm>>
      %dma_start3A_8 = tpu.memref_slice %arg8[%mul3A_2] : memref<16384xf32, #tpu.memory_space<hbm>> -> memref<512xf32, #tpu.memory_space<hbm>>
      tpu.enqueue_dma source(%arg16 : memref<512xf32, #tpu.memory_space<vmem>>) target(%dma_start3A_8 : memref<512xf32, #tpu.memory_space<hbm>>) target_semaphore(%run_scoped3A : memref<!tpu.dma_semaphore, #tpu.memory_space<semaphore_mem>>)
      %dma_wait3A = tpu.memref_slice %arg8[%mul3A_2] : memref<16384xf32, #tpu.memory_space<hbm>> -> memref<512xf32, #tpu.memory_space<hbm>>
      %dma_wait3A_9 = tpu.memref_slice %arg8[%mul3A_2] : memref<16384xf32, #tpu.memory_space<hbm>> -> memref<512xf32, #tpu.memory_space<hbm>>
      tpu.wait_dma2 semaphore(%run_scoped3A : memref<!tpu.dma_semaphore, #tpu.memory_space<semaphore_mem>>) src(%arg16 : memref<512xf32, #tpu.memory_space<vmem>>) dst(%dma_wait3A_9 : memref<512xf32, #tpu.memory_space<hbm>>)
      tpu.yield
    }) : () -> ()
    return
  }
}

</mosaic_0001>

<sc_bundles>
// kernel: kernel.3.cloned.1.call-start
scs
__scs_entry_jumppad:
0x0: {  	(pc) =	sbr.rel $0x88, $3  }
0x1: {  	(tag) =	ssettag $0x0;
	lr =	simm.s32 $0x1  }
0x2: {  	[smem:$0x3F9C] =	sst lr;
	_ =	strace $0xD0000000  }
0x3: {  	_ = 	snop  }
0x4: {  	_ = 	snop  }
0x5: {  	_ = 	snop  }
0x6: {  	_ = 	snop  }
0x7: {  	_ = 	snop  }
__scs_overlays_trampoline_lowered:
0x8: {  	[smem:$0x3FAB] =	sst s0  }
0x9: {  	[smem:$0x3FAC] =	sst s1  }
0xa: {  	[smem:$0x3FAD] =	sst s2  }
0xb: {  	[smem:$0x3FAE] =	sst s3  }
0xc: {  	[smem:$0x3FAF] =	sst s4  }
0xd: {  	[smem:$0x3FB0] =	sst s5  }
0xe: {  	[smem:$0x3FB1] =	sst s6  }
0xf: {  	[smem:$0x3FB2] =	sst s7  }
0x10: {  	[smem:$0x3FB3] =	sst s8  }
0x11: {  	[smem:$0x3FB4] =	sst s9;
	s0 =	simm.s32 @!p0 $0x0  }
0x12: {  	s1 =	sld [smem:$0x3F9A];
	s0 =	simm.s32 @p0 $0x1  }
0x13: {  	[smem:$0x3FB5] =	sst s0;
	s0 =	simm.s32 @!p1 $0x0  }
0x14: {  	s2 =	sld [smem:$0x3F99];
	s0 =	simm.s32 @p1 $0x1  }
0x15: {  	[smem:$0x3FB6] =	sst s0;
	s0 =	simm.s32 @!p2 $0x0  }
0x16: {  	s3 =	sld [smem:$0x3FDB];
	s0 =	simm.s32 @p2 $0x1  }
0x17: {  	s4 =	simm.s32 $0x1BF5;
	[smem:$0x3FB8] =	sst s0  }
0x18: {  	s0 =	sld [smem:$0x3F9B];
	_ =	swait.ge [sflag:s4], $0x0  }
0x19: {  	s7 =	sld [smem:$0x3F9C]  }
0x1a: {  	s8 =	sadd.s32 $0xFFFFE003, lr  }
0x1b: {  	s9 =	sadd.s32 $0xFFFFFEF7, lr;
	s5 =	simm.s32 $0xFFFFFFFF;
	p2 =	slt.u32 s8, $0xFFFFF086  }
0x1c: {  	p1 =	slt.u32 s9, $0xF7A;
	s5 =	simm.s32 @!p2 $0x0  }
0x1d: {  	s5 =	simm.s32 @p1 $0x1;
	p0 =	seq.s32 s7, s2  }
0x1e: {  	s7 =	smul.u32 @!p0 $0xF7A, s2;
	p2 =	seq.s32 @!p0 s5, $0x0  }
0x1f: {  	s9 =	smul.u32 $0xF7A, s1;
	s8 =	simm.s32 @!p0 $0x1BF5;
	p2 =	por !p2, p0  }
0x20: {  	[sflag:s8] =	ssyncset.s32 @!p0 $0xFFFFF086;
	s6 =	sadd.s32 @!p0 s3, s7;
	s7 =	simm.s32 @!p0 $0x108  }
0x21: {  	s3 =	sadd.s32 s3, s9;
	s6 =	sadd.s32 @!p0 $0x88, s6;
	s7 =	simm.s32 @p2 $0x1082  }
0x22: {  	[simem:s7], [sflag:s8] =	dma.local @!p0 [hbm:s6], $0xF7A  }
0x23: {  	s9 =	sor.u32 $0xD0000000, s2;
	s6 =	simm.s32 $0x108;
	_ =	swait.ge @!p0 [sflag:s8], $0x0  }
0x24: {  	s3 =	sadd.s32 $0x88, s3;
	s6 =	simm.s32 @!p1 $0x1082;
	[sflag:s4] =	ssyncset.s32 $0xFFFFF086  }
0x25: {  	[simem:s6], [sflag:s4] =	dma.local [hbm:s3], $0xF7A  }
0x26: {  	[smem:$0x3F9C] =	sst s1;
	(tag) =	ssettag s2;
	_ =	strace s9  }
0x27: {  	s1 =	sld [smem:$0x3FAC]  }
0x28: {  	s2 =	sld [smem:$0x3FAD]  }
0x29: {  	s4 =	sld [smem:$0x3FAF]  }
0x2a: {  	p0 =	seq.s32 s5, $0x0;
	s5 =	sld [smem:$0x3FB0]  }
0x2b: {  	s6 =	sld [smem:$0x3FB1]  }
0x2c: {  	s7 =	sld [smem:$0x3FB2]  }
0x2d: {  	s3 =	simm.s32 $0x108;
	s8 =	sld [smem:$0x3FB3]  }
0x2e: {  	s3 =	simm.s32 @!p0 $0x1082;
	s9 =	sld [smem:$0x3FB4]  }
0x2f: {  	lr =	sadd.s32 s0, s3;
	s0 =	sld [smem:$0x3FAB]  }
0x30: {  	s3 =	sld [smem:$0x3FAE]  }
0x31: {  	[smem:$0x3FB7] =	sst s10  }
0x32: {  	s10 =	sld [smem:$0x3FB5];
	_ =	sdelay $0x3  }
0x33: {  	p0 =	seq.s32 s10, $0x1;
	s10 =	sld [smem:$0x3FB7];
	_ =	sdelay $0x3  }
0x34: {  	[smem:$0x3FB7] =	sst s10  }
0x35: {  	s10 =	sld [smem:$0x3FB6];
	_ =	sdelay $0x3  }
0x36: {  	p1 =	seq.s32 s10, $0x1;
	s10 =	sld [smem:$0x3FB7];
	_ =	sdelay $0x3  }
0x37: {  	[smem:$0x3FB7] =	sst s10  }
0x38: {  	s10 =	sld [smem:$0x3FB8]  }
0x39: {  	_ = 	snop;
	(pc) =	sbr.ind lr, $3  }
0x3a: {  	_ = 	snop  }
0x3b: {  	_ = 	snop  }
0x3c: {  	p2 =	seq.s32 s10, $0x1;
	s10 =	sld [smem:$0x3FB7]  }
0x3d: {  	_ =	shalt  }
0x3e: {  	_ =	shalt  }
0x3f: {  	_ =	shalt  }
0x40: {  	_ =	shalt  }
0x41: {  	_ =	shalt  }
0x42: {  	_ =	shalt  }
0x43: {  	_ =	shalt  }
0x44: {  	_ =	shalt  }
0x45: {  	_ =	shalt  }
0x46: {  	_ =	shalt  }
0x47: {  	_ =	shalt  }
0x48: {  	_ =	shalt  }
0x49: {  	_ =	shalt  }
0x4a: {  	_ =	shalt  }
0x4b: {  	_ =	shalt  }
0x4c: {  	_ =	shalt  }
0x4d: {  	_ =	shalt  }
0x4e: {  	_ =	shalt  }
0x4f: {  	_ =	shalt  }
0x50: {  	_ =	shalt  }
0x51: {  	_ =	shalt  }
0x52: {  	_ =	shalt  }
0x53: {  	_ =	shalt  }
0x54: {  	_ =	shalt  }
0x55: {  	_ =	shalt  }
0x56: {  	_ =	shalt  }
0x57: {  	_ =	shalt  }
0x58: {  	_ =	shalt  }
0x59: {  	_ =	shalt  }
0x5a: {  	_ =	shalt  }
0x5b: {  	_ =	shalt  }
0x5c: {  	_ =	shalt  }
0x5d: {  	_ =	shalt  }
0x5e: {  	_ =	shalt  }
0x5f: {  	_ =	shalt  }
0x60: {  	_ =	shalt  }
0x61: {  	_ =	shalt  }
0x62: {  	_ =	shalt  }
0x63: {  	_ =	shalt  }
0x64: {  	_ =	shalt  }
0x65: {  	_ =	shalt  }
0x66: {  	_ =	shalt  }
0x67: {  	_ =	shalt  }
0x68: {  	_ =	shalt  }
0x69: {  	_ =	shalt  }
0x6a: {  	_ =	shalt  }
0x6b: {  	_ =	shalt  }
0x6c: {  	_ =	shalt  }
0x6d: {  	_ =	shalt  }
0x6e: {  	_ =	shalt  }
0x6f: {  	_ =	shalt  }
0x70: {  	_ =	shalt  }
0x71: {  	_ =	shalt  }
0x72: {  	_ =	shalt  }
0x73: {  	_ =	shalt  }
0x74: {  	_ =	shalt  }
0x75: {  	_ =	shalt  }
0x76: {  	_ =	shalt  }
0x77: {  	_ =	shalt  }
0x78: {  	_ =	shalt  }
0x79: {  	_ =	shalt  }
0x7a: {  	_ =	shalt  }
0x7b: {  	_ =	shalt  }
0x7c: {  	_ =	shalt  }
0x7d: {  	_ =	shalt  }
0x7e: {  	_ =	shalt  }
0x7f: {  	_ =	shalt  }
0x80: {  	_ =	shalt  }
0x81: {  	_ =	shalt  }
0x82: {  	_ =	shalt  }
0x83: {  	_ =	shalt  }
0x84: {  	_ =	shalt  }
0x85: {  	_ =	shalt  }
0x86: {  	_ =	shalt  }
0x87: {  	_ =	shalt  }
.Lfunc_end0:
.L_simem_size_0:
called_computation_lowered:
.L_overlay_start_0:
0x88: {  	s2 =	sld [smem:$0x3FD9]  }
0x89: {  	s3 =	sld [smem:$0x3FFE];
	_ =	sdelay $0x1  }
0x8a: {  	s1 =	srdreg.scid  }
0x8b: {  	s0 =	sand.u32 $0x1, s1  }
0x8c: {  	s14 =	sshll.u32 s0, $0xA;
	s2 =	sadd.s32 s3, s2  }
0x8d: {  	s2 =	sadd.s32 s2, s14  }
0x8e: {  	[smem:$0x3FC3] =	sst s2  }
0x8f: {  	_ = 	snop  }
0x90: {  	s2 =	sld [smem:$0x3FD0]  }
0x91: {  	s15 =	sld [smem:$0x3FC9]  }
0x92: {  	s4 =	sld [smem:$0x3FC8]  }
0x93: {  	s6 =	simm.s32 $0xA;
	s7 =	simm.s32 $0x10;
	s5 =	sld [smem:$0x3FC7]  }
0x94: {  	[smem:s7], [sflag:s6] =	dma.local [hbm:s2], $0x1  }
0x95: {  	_ =	swait.eq [sflag:s6], $0x1  }
0x96: {  	[sflag:s6] =	ssyncset.done $0x0  }
0x97: {  	s16 =	sld [smem:$0x10];
	[sflag:s6] =	ssyncadd.s32 $0xFFFFFFFF  }
0x98: {  	s17 =	sld [smem:$0x11];
	(tm) =	ssettm $0x1  }
0x99: {  	s18 =	sld [smem:$0x3FFB];
	_ =	sdelay $0x3  }
0x9a: {  	_ =	strace s18  }
0x9b: {  	s7 =	sld [smem:$0x3FFC];
	_ =	sdelay $0x3  }
0x9c: {  	_ =	strace s7  }
0x9d: {  	s7 =	sld [smem:$0x3FFD];
	_ =	sdelay $0x3  }
0x9e: {  	_ =	strace s7  }
0x9f: {  	_ =	strace $0x8FFFFFFF  }
0xa0: {  	s19 =	sld [smem:$0x3FDB];
	_ =	sdelay $0x1  }
0xa1: {  	s8 =	simm.s32 $_scs_section_size  }
0xa2: {  	s9 =	simm.s32 $_size__tile_overlayer_lowered;
	s10 =	simm.s32 $_tile_overlayer_lowered  }
0xa3: {  	s22 =	simm.s32 $0x1BFF;
	s21 =	sshll.u32 s10, $0x1;
	s7 =	sadd.s32 s8, s19  }
0xa4: {  	s11 =	simm.s32 $0x0;
	s20 =	sshll.u32 s9, $0x1;
	s9 =	sadd.s32 s21, s7  }
0xa5: {  	[timem:s11], [sflag:s22] =	dma.local [hbm:s9], s20  }
0xa6: {  	_ =	swait.ge [sflag:s22], s20  }
0xa7: {  	s8 =	ssub.s32 $0x0, s20;
	[sflag:s22] =	ssyncset.done $0x0  }
0xa8: {  	[sflag:s22] =	ssyncadd.s32 s8;
	_ =	sdelay $0x1  }
0xa9: {  	s23 =	simm.s32 $0x1B8B  }
0xaa: {  	_ =	swait.ge [sflag:s23], $0x1  }
0xab: {  	[sflag:s23] =	ssyncset.done $0x0  }
0xac: {  	s25 =	simm.s32 $0x1B8E;
	s24 =	sld [smem:$0x3FFE];
	[sflag:s23] =	ssyncadd.s32 $0xFFFFFFFF  }
0xad: {  	s26 =	simm.s32 $execute0_lowered;
	[smem:$0x3FD2] =	sst s25  }
0xae: {  	s9 =	sshll.u32 s26, $0x1;
	_ =	strace $0x80000046;
	[dreg:$0x1] =	wrdreg $0xFFFFFFFF  }
0xaf: {  	s28 =	simm.s32 $_size_execute0_lowered;
	s7 =	sadd.s32 s7, s9;
	[dreg:$0x0] =	wrdreg $0x0  }
0xb0: {  	s9 =	sshll.u32 s28, $0x1;
	[dreg:$0x2] =	wrdreg s7  }
0xb1: {  	[dreg:$0x3] =	wrdreg s9  }
0xb2: {  	[dreg:$0x4] =	wrdreg $0xC0  }
0xb3: {  	_ =	task [dreg:s11], $0x5FFFF  }
0xb4: {  	[dreg:$0x1] =	wrdreg $0xFFFFFFFF  }
0xb5: {  	[dreg:$0x0] =	wrdreg $0x60  }
0xb6: {  	[dreg:$0x2] =	wrdreg s15  }
0xb7: {  	[dreg:$0x3] =	wrdreg s4  }
0xb8: {  	[dreg:$0x4] =	wrdreg s5  }
0xb9: {  	[dreg:$0x5] =	wrdreg s24  }
0xba: {  	[dreg:$0x6] =	wrdreg s16  }
0xbb: {  	[dreg:$0x7] =	wrdreg s17  }
0xbc: {  	[dreg:$0x8] =	wrdreg $0x9  }
0xbd: {  	_ =	task.clear_ibuf [dreg:s11], $0x9FFFF;
	_ =	strace $0x90000046  }
0xbe: {  	s29 =	simm.s32 $0x9;
	_ =	strace $0x80000048  }
0xbf: {  	_ =	swait.ge [sflag:s29], $0x1  }
0xc0: {  	[sflag:s29] =	ssyncadd.s32 $0xFFFFFFFF  }
0xc1: {  	_ =	strace $0x90000048  }
0xc2: {  	_ =	sfence  }
0xc3: {  	s30 =	sld [smem:$0x0];
	_ =	sdelay $0x2  }
0xc4: {  	s31 =	sshll.u32 s1, $0xD;
	s1 =	sshrl.u32 s1, $0x2  }
0xc5: {  	s3 =	sand.u32 $0x4000, s31;
	s1 =	sadd.s32 s1, s30  }
0xc6: {  	s0 =	sor.u32 s3, s0;
	s1 =	sshll.u32 s1, $0x11  }
0xc7: {  	s0 =	sor.u32 s1, s0  }
0xc8: {  	s0 =	sadd.s32 $0x8F2B, s0  }
0xc9: {  	[sflag:s0] =	ssyncadd.remote.s32 $0x1  }
0xca: {  	_ =	sfence.sel $0xFFFF  }
0xcb: {  	[dreg:$0x0] =	wrdreg $0xFFFFFFFF;
	(pc) =	sbr.abs _section_cstart, $3  }
0xcc: {  	[dreg:$0x1] =	wrdreg $0xFFFFFFFF  }
0xcd: {  	_ =	task.clear_ibuf [dreg:s11], $0x2FFFF;
	_ =	strace $0x9FFFFFFF  }
0xce: {  	(tm) =	ssettm $0x7FFFFFFF  }
0xcf: {  	_ =	shalt  }
tec
execute0_lowered:
.L_overlay_start_1:
0x0: {  	(tag) =	ssettag $0x1  }
0x1: {  	s0 =	rddreg [dreg:$0x0]  }
0x2: {  	s1 =	rddreg [dreg:$0x1]  }
0x3: {  	s3 =	rddreg [dreg:$0x2]  }
0x4: {  	s4 =	rddreg [dreg:$0x3];
	s7 =	srdreg.scid  }
0x5: {  	s5 =	rddreg [dreg:$0x4];
	s9 =	stileid.u32;
	s7 =	sand.u32 $0x1, s7  }
0x6: {  	s9 =	sshll.u32 s9, $0x7;
	s8 =	ssub.s32 $0x2, s7;
	s7 =	sshll.u32 s7, $0x6  }
0x7: {  	s6 =	rddreg [dreg:$0x5];
	s2 =	simm.s32 $0x0;
	s7 =	sor.u32 s7, s9  }
0x8: {  	[smem:$0x7FF] =	sst s2;
	s0 =	sadd.s32 s0, s7  }
0x9: {  	_ =	strace $0x80000047;
	s26 =	sadd.s32 s1, s7;
	[smem:$0x7F8] =	sst s0  }
0xa: {  	s14 =	sadd.s32 $0x187000, s4;
	s28 =	sadd.s32 s3, s7;
	[smem:$0x7F9] =	sst s26  }
0xb: {  	v0 =	vlaneseq.u32;
	s10 =	sshrl.u32 s8, $0x1;
	s29 =	sadd.s32 s5, s7;
	[smem:$0x7FA] =	sst s28  }
0xc: {  	v0 =	vmul.u32 $0x80, v0;
	s8 =	ssub.s32 s8, s10;
	s30 =	sadd.s32 s6, s7;
	[smem:$0x7FB] =	sst s29  }
0xd: {  	s4 =	sadd.s32 $0x600, s4;
	[smem:$0x7FC] =	sst s30;
	s31 =	smax.u32 s8, $0x1  }
0xe: {  	[tilespmem:$0x1FFF0] =	vst v0;
	s1 =	simm.s32 $0x2;
	s3 =	simm.s32 $0x0;
	[smem:$0x7FD] =	sst s31  }
.LBB2_1:
0xf: {  	s0 =	sld [smem:$0x7F8];
	_ =	sdelay $0x1  }
0x10: {  	[smem:$0x7F7] =	sst s3  }
0x11: {  	[tilespmem:s2], [sflag:$0x2] =	stream.linear.gather [hbm4b:s0+s2], $0x200, $0x38;
	[tilespmem:$0x18A00] =	vst v63  }
0x12: {  	_ =	swait.ge [sflag:s1], $0x200  }
0x13: {  	s28 =	sld [smem:$0x7F9]  }
0x14: {  	[sflag:s1] =	ssyncset.done $0x0  }
0x15: {  	s29 =	simm.s32 $0x200;
	[sflag:s1] =	ssyncadd.s32 $0xFFFFFE00  }
0x16: {  	[tilespmem:s29], [sflag:$0x2] =	stream.linear.gather [hbm4b:s28+s2], $0x200, $0x38;
	[tilespmem:$0x18A00] =	vst v63  }
0x17: {  	_ =	swait.ge [sflag:s1], $0x200  }
0x18: {  	s30 =	sld [smem:$0x7FA]  }
0x19: {  	[sflag:s1] =	ssyncset.done $0x0  }
0x1a: {  	s31 =	simm.s32 $0x400;
	[sflag:s1] =	ssyncadd.s32 $0xFFFFFE00  }
0x1b: {  	[tilespmem:s31], [sflag:$0x2] =	stream.linear.gather [hbm4b:s30+s2], $0x200, $0x38;
	[tilespmem:$0x18A00] =	vst v63  }
0x1c: {  	_ =	swait.ge [sflag:s1], $0x200  }
0x1d: {  	[sflag:s1] =	ssyncset.done $0x0  }
0x1e: {  	p1 =	por $0x1, $0x1;
	s0 =	simm.s32 $0x0;
	[sflag:s1] =	ssyncadd.s32 $0xFFFFFE00  }
.LBB2_2:
0x1f: {  	s0 =	sshll.u32 s0, $0x2  }
0x20: {  	s15 =	sshra.s32 s0, $0x2  }
0x21: {  	v1 =	vld [tilespmem:s15+$0x0];
	s0 =	sadd.s32 $0x200, s15  }
0x22: {  	s1 =	sadd.s32 $0x400, s15;
	v2 =	vld [tilespmem:s0+$0x0]  }
0x23: {  	v4 =	vld [tilespmem:s1+$0x0];
	_ =	sdelay $0x2  }
0x24: {  	v3 =	vshll.u32 v1, $0x4  }
0x25: {  	(v2sf) =	vpush v3, $0x0;
	v2 =	vshll.u32 v2, $0x4  }
0x26: {  	v1 =	vshll.u32 v4, $0x4;
	(v2sf) =	vpush v2, $0x0  }
0x27: {  	(v2sf) =	vpush v1, $0x0;
	_ =	sdelay $0x2  }
0x28: {  	(v2sf) =	vpush v3, $0x1  }
0x29: {  	(v2sf) =	vpush v2, $0x1;
	_ =	sdelay $0x1  }
0x2a: {  	(v2sf) =	vpush v1, $0x1;
	_ =	sdelay $0x2  }
0x2b: {  	s26 =	simm.s32 $0x2000;
	s22 =	simm.s32 $0x0;
	s6 =	simm.s32 $0x10600  }
0x2c: {  	s3 =	simm.s32 $0x8780;
	s5 =	simm.s32 $0x980;
	s19 =	simm.s32 $0x600;
	(v2sf) =	vpush v3, $0x2  }
0x2d: {  	s7 =	simm.s32 $0x8600;
	s10 =	simm.s32 $0x10680;
	s11 =	simm.s32 $0x780  }
0x2e: {  	s24 =	simm.s32 $0x680;
	s28 =	simm.s32 $0x8680;
	p0 =	por p1, p1  }
0x2f: {  	[smem:$0x7F6] =	sst s15;
	s16 =	sadd.s32 $0x10, s0;
	s8 =	spop (v2sf)  }
0x30: {  	s17 =	sadd.s32 $0x10, s1;
	(v2sf) =	vpush v2, $0x2;
	s8 =	sand.u32 $0x1FFFFFF0, s8;
	s9 =	spop (v2sf)  }
0x31: {  	s1 =	simm.s32 $0xA00;
	s8 =	sadd.s32 s14, s8;
	s21 =	spop (v2sf)  }
0x32: {  	(v2sf) =	vpush v1, $0x2;
	[tilespmem:s19], [sflag:$0x1] =	stream.linear.gather [hbm4b:s8+s2], $0x80, $0x38;
	[tilespmem:$0x18A00] =	vst v63  }
0x33: {  	s0 =	simm.s32 $0xA80;
	s20 =	sand.u32 $0x1FFFFFF0, s9;
	(v2sf) =	vpush v3, $0x3;
	s9 =	sand.u32 $0x1FFFFFF0, s21  }
0x34: {  	s12 =	spop (v2sf);
	s8 =	sadd.s32 s4, s20;
	s20 =	simm.s32 $0x700  }
0x35: {  	s23 =	sand.u32 $0x1FFFFFF0, s12;
	s9 =	sadd.s32 s4, s9;
	s25 =	spop (v2sf)  }
0x36: {  	(v2sf) =	vpush v2, $0x3;
	[tilespmem:s7], [sflag:$0x1] =	stream.linear.gather [hbm4b:s8+s2], $0x80, $0x38;
	[tilespmem:$0x18A00] =	vst v63  }
0x37: {  	s7 =	simm.s32 $0x10780;
	s8 =	sadd.s32 s14, s23;
	s30 =	spop (v2sf)  }
0x38: {  	(v2sf) =	vpush v1, $0x3;
	[tilespmem:s6], [sflag:$0x1] =	stream.linear.gather [hbm4b:s9+s2], $0x80, $0x38;
	[tilespmem:$0x18A00] =	vst v63  }
0x39: {  	s29 =	sand.u32 $0x1FFFFFF0, s25;
	s23 =	simm.s32 $0x8700;
	s31 =	sand.u32 $0x1FFFFFF0, s30  }
0x3a: {  	(v2sf) =	vpush v3, $0x4;
	[tilespmem:s24], [sflag:$0x1] =	stream.linear.gather [hbm4b:s8+s2], $0x80, $0x38;
	[tilespmem:$0x18A00] =	vst v63  }
0x3b: {  	s13 =	spop (v2sf);
	s9 =	simm.s32 $0x8880;
	s8 =	sadd.s32 s4, s29  }
0x3c: {  	(v2sf) =	vpush v2, $0x4;
	[tilespmem:s28], [sflag:$0x1] =	stream.linear.gather [hbm4b:s8+s2], $0x80, $0x38;
	[tilespmem:$0x18A00] =	vst v63  }
0x3d: {  	s18 =	sadd.s32 s4, s31;
	s19 =	sand.u32 $0x1FFFFFF0, s13;
	s6 =	simm.s32 $0x10A80  }
0x3e: {  	[tilespmem:s10], [sflag:$0x1] =	stream.linear.gather [hbm4b:s18+s2], $0x80, $0x38;
	[tilespmem:$0x18A00] =	vst v63  }
0x3f: {  	s13 =	simm.s32 $0x8800;
	s8 =	sadd.s32 s14, s19;
	s21 =	spop (v2sf)  }
0x40: {  	(v2sf) =	vpush v1, $0x4;
	[tilespmem:s20], [sflag:$0x1] =	stream.linear.gather [hbm4b:s8+s2], $0x80, $0x38;
	[tilespmem:$0x18A00] =	vst v63  }
0x41: {  	s29 =	simm.s32 $0x10700;
	s24 =	sand.u32 $0x1FFFFFF0, s21;
	s25 =	spop (v2sf)  }
0x42: {  	s20 =	simm.s32 $0x10800;
	(v2sf) =	vpush v3, $0x5;
	s8 =	sadd.s32 s4, s24;
	s28 =	spop (v2sf)  }
0x43: {  	(v2sf) =	vpush v2, $0x5;
	[tilespmem:s23], [sflag:$0x1] =	stream.linear.gather [hbm4b:s8+s2], $0x80, $0x38;
	[tilespmem:$0x18A00] =	vst v63  }
0x44: {  	s10 =	sand.u32 $0x1FFFFFF0, s25;
	s24 =	simm.s32 $0x800;
	s31 =	sand.u32 $0x1FFFFFF0, s28  }
0x45: {  	s30 =	sadd.s32 s4, s10;
	s12 =	spop (v2sf);
	(v2sf) =	vpush v1, $0x5;
	s10 =	sadd.s32 s14, s31  }
0x46: {  	[tilespmem:s29], [sflag:$0x1] =	stream.linear.gather [hbm4b:s30+s2], $0x80, $0x38;
	[tilespmem:$0x18A00] =	vst v63  }
0x47: {  	s8 =	sand.u32 $0x1FFFFFF0, s12;
	s18 =	spop (v2sf);
	s12 =	simm.s32 $0x880  }
0x48: {  	(v2sf) =	vpush v3, $0x6;
	[tilespmem:s11], [sflag:$0x1] =	stream.linear.gather [hbm4b:s10+s2], $0x80, $0x38;
	[tilespmem:$0x18A00] =	vst v63  }
0x49: {  	s8 =	sadd.s32 s4, s8;
	s19 =	spop (v2sf);
	s11 =	sand.u32 $0x1FFFFFF0, s18  }
0x4a: {  	(v2sf) =	vpush v2, $0x6;
	[tilespmem:s3], [sflag:$0x1] =	stream.linear.gather [hbm4b:s8+s2], $0x80, $0x38;
	[tilespmem:$0x18A00] =	vst v63  }
0x4b: {  	s23 =	sand.u32 $0x1FFFFFF0, s19;
	s25 =	spop (v2sf);
	s21 =	sadd.s32 s4, s11  }
0x4c: {  	(v2sf) =	vpush v1, $0x6;
	[tilespmem:s7], [sflag:$0x1] =	stream.linear.gather [hbm4b:s21+s2], $0x80, $0x38;
	[tilespmem:$0x18A00] =	vst v63  }
0x4d: {  	s10 =	simm.s32 $0x8900;
	s11 =	sadd.s32 s14, s23;
	s8 =	sand.u32 $0x1FFFFFF0, s25  }
0x4e: {  	[tilespmem:s24], [sflag:$0x1] =	stream.linear.gather [hbm4b:s11+s2], $0x80, $0x38;
	[tilespmem:$0x18A00] =	vst v63  }
0x4f: {  	s23 =	simm.s32 $0x10880;
	s8 =	sadd.s32 s4, s8;
	s28 =	spop (v2sf)  }
0x50: {  	(v2sf) =	vpush v3, $0x7;
	[tilespmem:s13], [sflag:$0x1] =	stream.linear.gather [hbm4b:s8+s2], $0x80, $0x38;
	[tilespmem:$0x18A00] =	vst v63  }
0x51: {  	s7 =	simm.s32 $0xB00;
	s11 =	sand.u32 $0x1FFFFFF0, s28;
	s29 =	spop (v2sf)  }
0x52: {  	(v2sf) =	vpush v2, $0x7;
	s8 =	simm.s32 $0x8B00;
	s30 =	sadd.s32 s4, s11;
	s13 =	spop (v2sf)  }
0x53: {  	[tilespmem:s20], [sflag:$0x1] =	stream.linear.gather [hbm4b:s30+s2], $0x80, $0x38;
	[tilespmem:$0x18A00] =	vst v63  }
0x54: {  	s28 =	simm.s32 $0x900;
	s31 =	sand.u32 $0x1FFFFFF0, s29;
	s20 =	spop (v2sf)  }
0x55: {  	(v2sf) =	vpush v1, $0x7;
	s18 =	sadd.s32 s14, s31;
	s19 =	sand.u32 $0x1FFFFFF0, s13;
	s11 =	sand.u32 $0x1FFFFFF0, s20  }
0x56: {  	(v2sf) =	vpush v3, $0x8;
	[tilespmem:s12], [sflag:$0x1] =	stream.linear.gather [hbm4b:s18+s2], $0x80, $0x38;
	[tilespmem:$0x18A00] =	vst v63  }
0x57: {  	s3 =	sadd.s32 s4, s19;
	s21 =	spop (v2sf);
	s24 =	sadd.s32 s4, s11  }
0x58: {  	(v2sf) =	vpush v2, $0x8;
	[tilespmem:s9], [sflag:$0x1] =	stream.linear.gather [hbm4b:s3+s2], $0x80, $0x38;
	[tilespmem:$0x18A00] =	vst v63  }
0x59: {  	s25 =	sand.u32 $0x1FFFFFF0, s21;
	s29 =	spop (v2sf);
	s18 =	simm.s32 $0x8980  }
0x5a: {  	[tilespmem:s23], [sflag:$0x1] =	stream.linear.gather [hbm4b:s24+s2], $0x80, $0x38;
	[tilespmem:$0x18A00] =	vst v63  }
0x5b: {  	(v2sf) =	vpush v1, $0x8;
	s11 =	sadd.s32 s14, s25;
	s30 =	spop (v2sf);
	s9 =	sand.u32 $0x1FFFFFF0, s29  }
0x5c: {  	[tilespmem:s28], [sflag:$0x1] =	stream.linear.gather [hbm4b:s11+s2], $0x80, $0x38;
	[tilespmem:$0x18A00] =	vst v63  }
0x5d: {  	s21 =	simm.s32 $0x10980;
	(v2sf) =	vpush v3, $0x9;
	s9 =	sadd.s32 s4, s9;
	s11 =	sand.u32 $0x1FFFFFF0, s30  }
0x5e: {  	[tilespmem:s10], [sflag:$0x1] =	stream.linear.gather [hbm4b:s9+s2], $0x80, $0x38;
	[tilespmem:$0x18A00] =	vst v63  }
0x5f: {  	s31 =	spop (v2sf);
	(v2sf) =	vpush v2, $0x9;
	s11 =	sadd.s32 s4, s11;
	s10 =	simm.s32 $0x10900  }
0x60: {  	[tilespmem:s10], [sflag:$0x1] =	stream.linear.gather [hbm4b:s11+s2], $0x80, $0x38;
	[tilespmem:$0x18A00] =	vst v63  }
0x61: {  	s25 =	simm.s32 $0x10A00;
	s12 =	sand.u32 $0x1FFFFFF0, s31;
	s13 =	spop (v2sf)  }
0x62: {  	s3 =	simm.s32 $0x8A80;
	s11 =	sadd.s32 s14, s12;
	s10 =	sand.u32 $0x1FFFFFF0, s13  }
0x63: {  	[tilespmem:s5], [sflag:$0x1] =	stream.linear.gather [hbm4b:s11+s2], $0x80, $0x38;
	[tilespmem:$0x18A00] =	vst v63  }
0x64: {  	s9 =	simm.s32 $0x8A00;
	(v2sf) =	vpush v1, $0x9;
	s19 =	spop (v2sf);
	s10 =	sadd.s32 s4, s10  }
0x65: {  	s11 =	sand.u32 $0x1FFFFFF0, s19;
	s20 =	spop (v2sf);
	s19 =	simm.s32 $0xC80  }
0x66: {  	(v2sf) =	vpush v3, $0xA;
	[tilespmem:s18], [sflag:$0x1] =	stream.linear.gather [hbm4b:s10+s2], $0x80, $0x38;
	[tilespmem:$0x18A00] =	vst v63  }
0x67: {  	(v2sf) =	vpush v2, $0xA;
	s23 =	sadd.s32 s4, s11;
	s24 =	sand.u32 $0x1FFFFFF0, s20;
	s28 =	spop (v2sf)  }
0x68: {  	s11 =	sadd.s32 s14, s24;
	s18 =	simm.s32 $0x8D80;
	s24 =	simm.s32 $0x10B80  }
0x69: {  	(v2sf) =	vpush v1, $0xA;
	[tilespmem:s21], [sflag:$0x1] =	stream.linear.gather [hbm4b:s23+s2], $0x80, $0x38;
	[tilespmem:$0x18A00] =	vst v63  }
0x6a: {  	s29 =	sand.u32 $0x1FFFFFF0, s28;
	s30 =	spop (v2sf);
	s28 =	simm.s32 $0xC00  }
0x6b: {  	(v2sf) =	vpush v3, $0xB;
	[tilespmem:s1], [sflag:$0x1] =	stream.linear.gather [hbm4b:s11+s2], $0x80, $0x38;
	[tilespmem:$0x18A00] =	vst v63  }
0x6c: {  	s10 =	sand.u32 $0x1FFFFFF0, s30;
	s31 =	spop (v2sf);
	s1 =	sadd.s32 s4, s29  }
0x6d: {  	(v2sf) =	vpush v2, $0xB;
	[tilespmem:s9], [sflag:$0x1] =	stream.linear.gather [hbm4b:s1+s2], $0x80, $0x38;
	[tilespmem:$0x18A00] =	vst v63  }
0x6e: {  	s23 =	sadd.s32 $0x10, s15;
	s11 =	spop (v2sf);
	s9 =	sadd.s32 s4, s10  }
0x6f: {  	(v2sf) =	vpush v1, $0xB;
	s10 =	sand.u32 $0x1FFFFFF0, s31;
	s1 =	sand.u32 $0x1FFFFFF0, s11;
	s11 =	simm.s32 $0x10D00  }
0x70: {  	[tilespmem:s25], [sflag:$0x1] =	stream.linear.gather [hbm4b:s9+s2], $0x80, $0x38;
	[tilespmem:$0x18A00] =	vst v63  }
0x71: {  	(v2sf) =	vpush v3, $0xC;
	s31 =	simm.s32 $0x10B00;
	s12 =	sadd.s32 s14, s10;
	s1 =	sadd.s32 s4, s1  }
0x72: {  	[tilespmem:s0], [sflag:$0x1] =	stream.linear.gather [hbm4b:s12+s2], $0x80, $0x38;
	[tilespmem:$0x18A00] =	vst v63  }
0x73: {  	s9 =	simm.s32 $0x8B80;
	s0 =	simm.s32 $0x8C00;
	s13 =	spop (v2sf)  }
0x74: {  	(v2sf) =	vpush v2, $0xC;
	[tilespmem:s3], [sflag:$0x1] =	stream.linear.gather [hbm4b:s1+s2], $0x80, $0x38;
	[tilespmem:$0x18A00] =	vst v63  }
0x75: {  	s5 =	sand.u32 $0x1FFFFFF0, s13;
	s15 =	spop (v2sf);
	s1 =	simm.s32 $0xD00  }
0x76: {  	(v2sf) =	vpush v1, $0xC;
	s20 =	sadd.s32 s4, s5;
	s21 =	sand.u32 $0x1FFFFFF0, s15;
	s25 =	spop (v2sf)  }
0x77: {  	[tilespmem:s6], [sflag:$0x1] =	stream.linear.gather [hbm4b:s20+s2], $0x80, $0x38;
	[tilespmem:$0x18A00] =	vst v63  }
0x78: {  	s3 =	sadd.s32 s14, s21;
	s5 =	sand.u32 $0x1FFFFFF0, s25;
	s29 =	spop (v2sf)  }
0x79: {  	[tilespmem:s7], [sflag:$0x1] =	stream.linear.gather [hbm4b:s3+s2], $0x80, $0x38;
	[tilespmem:$0x18A00] =	vst v63  }
0x7a: {  	(v2sf) =	vpush v3, $0xD;
	s5 =	sadd.s32 s4, s5;
	s6 =	sand.u32 $0x1FFFFFF0, s29;
	s30 =	spop (v2sf)  }
0x7b: {  	[tilespmem:s8], [sflag:$0x1] =	stream.linear.gather [hbm4b:s5+s2], $0x80, $0x38;
	[tilespmem:$0x18A00] =	vst v63  }
0x7c: {  	(v2sf) =	vpush v2, $0xD;
	s6 =	sadd.s32 s4, s6;
	s7 =	sand.u32 $0x1FFFFFF0, s30;
	s8 =	spop (v2sf)  }
0x7d: {  	[tilespmem:s31], [sflag:$0x1] =	stream.linear.gather [hbm4b:s6+s2], $0x80, $0x38;
	[tilespmem:$0x18A00] =	vst v63  }
0x7e: {  	s7 =	sadd.s32 s14, s7;
	s10 =	spop (v2sf);
	s6 =	simm.s32 $0xB80  }
0x7f: {  	[tilespmem:s6], [sflag:$0x1] =	stream.linear.gather [hbm4b:s7+s2], $0x80, $0x38;
	[tilespmem:$0x18A00] =	vst v63  }
0x80: {  	s30 =	simm.s32 $0x10C00;
	s12 =	spop (v2sf);
	s6 =	sand.u32 $0x1FFFFFF0, s8  }
0x81: {  	s15 =	sand.u32 $0x1FFFFFF0, s12;
	s7 =	sand.u32 $0x1FFFFFF0, s10;
	s6 =	sadd.s32 s4, s6  }
0x82: {  	[tilespmem:s9], [sflag:$0x1] =	stream.linear.gather [hbm4b:s6+s2], $0x80, $0x38;
	[tilespmem:$0x18A00] =	vst v63  }
0x83: {  	s21 =	sadd.s32 s14, s15;
	s13 =	sadd.s32 s4, s7;
	s20 =	spop (v2sf)  }
0x84: {  	[tilespmem:s24], [sflag:$0x1] =	stream.linear.gather [hbm4b:s13+s2], $0x80, $0x38;
	[tilespmem:$0x18A00] =	vst v63  }
0x85: {  	(v2sf) =	vpush v1, $0xD;
	s8 =	simm.s32 $0xD80;
	s24 =	sand.u32 $0x1FFFFFF0, s20;
	s25 =	spop (v2sf)  }
0x86: {  	(v2sf) =	vpush v3, $0xE;
	[tilespmem:s28], [sflag:$0x1] =	stream.linear.gather [hbm4b:s21+s2], $0x80, $0x38;
	[tilespmem:$0x18A00] =	vst v63  }
0x87: {  	s9 =	simm.s32 $0x10C80;
	(v2sf) =	vpush v2, $0xE;
	s28 =	sadd.s32 s4, s24;
	s29 =	sand.u32 $0x1FFFFFF0, s25  }
0x88: {  	(v2sf) =	vpush v1, $0xE;
	[tilespmem:s0], [sflag:$0x1] =	stream.linear.gather [hbm4b:s28+s2], $0x80, $0x38;
	[tilespmem:$0x18A00] =	vst v63  }
0x89: {  	s13 =	simm.s32 $0x8C80;
	s3 =	sadd.s32 s4, s29;
	(v2sf) =	vpush v3, $0xF;
	s31 =	spop (v2sf)  }
0x8a: {  	(v2sf) =	vpush v2, $0xF;
	[tilespmem:s30], [sflag:$0x1] =	stream.linear.gather [hbm4b:s3+s2], $0x80, $0x38;
	[tilespmem:$0x18A00] =	vst v63  }
0x8b: {  	s0 =	simm.s32 $0x8D00;
	s5 =	spop (v2sf);
	(v2sf) =	vpush v1, $0xF;
	s3 =	sand.u32 $0x1FFFFFF0, s31  }
.LBB2_3:
0x8c: {  	_ =	sdelay $0x3  }
0x8d: {  	s3 =	sadd.s32 s14, s3;
	s5 =	sand.u32 $0x1FFFFFF0, s5  }
0x8e: {  	[tilespmem:s19], [sflag:$0x1] =	stream.linear.gather [hbm4b:s3+s2], $0x80, $0x38;
	[tilespmem:$0x18A00] =	vst v63  }
0x8f: {  	s24 =	sadd.s32 s4, s5  }
0x90: {  	[tilespmem:s13], [sflag:$0x1] =	stream.linear.gather [hbm4b:s24+s2], $0x80, $0x38;
	[tilespmem:$0x18A00] =	vst v63  }
0x91: {  	s6 =	spop (v2sf)  }
0x92: {  	s25 =	sand.u32 $0x1FFFFFF0, s6;
	s28 =	spop (v2sf)  }
0x93: {  	s7 =	smov.u32 s26;
	s29 =	sadd.s32 s4, s25;
	s30 =	sand.u32 $0x1FFFFFF0, s28  }
0x94: {  	[tilespmem:s9], [sflag:$0x1] =	stream.linear.gather [hbm4b:s29+s2], $0x80, $0x38;
	[tilespmem:$0x18A00] =	vst v63  }
0x95: {  	p1 =	sne.s32 s26, $0x1E000;
	s31 =	spop (v2sf);
	s9 =	sadd.s32 s14, s30  }
0x96: {  	s10 =	sand.u32 $0x1FFFFFF0, s31;
	s12 =	spop (v2sf);
	s31 =	sadd.s32 $0x10D80, s22  }
0x97: {  	s22 =	sshra.s32 s7, $0x2;
	s13 =	sadd.s32 s4, s10;
	s15 =	sand.u32 $0x1FFFFFF0, s12  }
0x98: {  	[tilespmem:s1], [sflag:$0x1] =	stream.linear.gather [hbm4b:s9+s2], $0x80, $0x38;
	[tilespmem:$0x18A00] =	vst v63  }
0x99: {  	s19 =	spop (v2sf);
	s5 =	sadd.s32 $0x8780, s22;
	s7 =	sadd.s32 $0x980, s22  }
0x9a: {  	[tilespmem:s0], [sflag:$0x1] =	stream.linear.gather [hbm4b:s13+s2], $0x80, $0x38;
	[tilespmem:$0x18A00] =	vst v63  }
0x9b: {  	s20 =	sadd.s32 s4, s15;
	s21 =	sand.u32 $0x1FFFFFF0, s19;
	s24 =	spop (v2sf)  }
0x9c: {  	[tilespmem:s11], [sflag:$0x1] =	stream.linear.gather [hbm4b:s20+s2], $0x80, $0x38;
	[tilespmem:$0x18A00] =	vst v63  }
0x9d: {  	s25 =	sadd.s32 s14, s21;
	s28 =	sand.u32 $0x1FFFFFF0, s24;
	s29 =	spop (v2sf)  }
0x9e: {  	[tilespmem:s8], [sflag:$0x1] =	stream.linear.gather [hbm4b:s25+s2], $0x80, $0x38;
	[tilespmem:$0x18A00] =	vst v63  }
0x9f: {  	[dreg:$0x1e] =	wrdreg s5;
	s30 =	sadd.s32 s4, s28;
	s3 =	sand.u32 $0x1FFFFFF0, s29  }
0xa0: {  	[tilespmem:s18], [sflag:$0x1] =	stream.linear.gather [hbm4b:s30+s2], $0x80, $0x38;
	[tilespmem:$0x18A00] =	vst v63  }
0xa1: {  	s12 =	sadd.s32 $0x10A80, s22;
	[dreg:$0x13] =	wrdreg s7;
	s3 =	sadd.s32 s4, s3  }
0xa2: {  	[tilespmem:s31], [sflag:$0x1] =	stream.linear.gather [hbm4b:s3+s2], $0x80, $0x38;
	[tilespmem:$0x18A00] =	vst v63  }
0xa3: {  	s26 =	sadd.s32 $0x2000, s26;
	s9 =	sadd.s32 $0xA80, s22;
	[dreg:$0xc] =	wrdreg s12;
	v1 =	vld [tilespmem:s23+$0x0]  }
0xa4: {  	s6 =	sadd.s32 $0x10, s16;
	s1 =	sadd.s32 $0x880, s22;
	[dreg:$0xe] =	wrdreg s9;
	v2 =	vld [tilespmem:s16+$0x0]  }
0xa5: {  	s10 =	sadd.s32 $0x10, s17;
	s12 =	sadd.s32 $0x10900, s22;
	[dreg:$0x1f] =	wrdreg s1;
	v4 =	vld [tilespmem:s17+$0x0]  }
0xa6: {  	s19 =	sadd.s32 $0x10600, s22;
	s21 =	sadd.s32 $0x8B00, s22;
	[dreg:$0x19] =	wrdreg s12  }
0xa7: {  	s15 =	sadd.s32 $0x8600, s22;
	s24 =	sadd.s32 $0x8A80, s22;
	[dreg:$0x9] =	wrdreg s21  }
0xa8: {  	s5 =	sadd.s32 $0x780, s22;
	s9 =	sadd.s32 $0x10980, s22;
	[dreg:$0x10] =	wrdreg s24;
	v3 =	vshll.u32 v1, $0x4  }
0xa9: {  	s7 =	sadd.s32 $0x10780, s22;
	s1 =	sadd.s32 $0x8B80, s22;
	[dreg:$0x16] =	wrdreg s9;
	v2 =	vshll.u32 v2, $0x4;
	(v2sf) =	vpush v3, $0x0  }
0xaa: {  	s13 =	sadd.s32 $0x600, s22;
	s24 =	sadd.s32 $0x10B80, s22;
	[dreg:$0xd] =	wrdreg s1;
	v1 =	vshll.u32 v4, $0x4;
	(v2sf) =	vpush v2, $0x0  }
0xab: {  	s28 =	sadd.s32 $0x10680, s22;
	s9 =	sadd.s32 $0x900, s22;
	[dreg:$0xa] =	wrdreg s24;
	(v2sf) =	vpush v1, $0x0  }
0xac: {  	s29 =	sadd.s32 $0x800, s22;
	[smem:$0x7F5] =	sst s9;
	s11 =	sadd.s32 $0x8880, s22  }
0xad: {  	s21 =	sadd.s32 $0x10700, s22;
	s20 =	sadd.s32 $0x8900, s22;
	[dreg:$0x1a] =	wrdreg s11;
	(v2sf) =	vpush v3, $0x1  }
0xae: {  	s0 =	sadd.s32 $0x8D00, s22;
	[dreg:$0x18] =	wrdreg s20;
	s11 =	sadd.s32 $0x10880, s22  }
0xaf: {  	s1 =	sadd.s32 $0xD00, s22;
	s8 =	sadd.s32 $0xA00, s22;
	[dreg:$0x1c] =	wrdreg s11  }
0xb0: {  	s9 =	sadd.s32 $0x10C80, s22;
	s25 =	sadd.s32 $0x8A00, s22;
	[dreg:$0x11] =	wrdreg s8  }
0xb1: {  	s20 =	sadd.s32 $0xC80, s22;
	[dreg:$0x14] =	wrdreg s25;
	s8 =	sadd.s32 $0x8980, s22;
	(v2sf) =	vpush v2, $0x1  }
0xb2: {  	s11 =	sadd.s32 $0x10D00, s22;
	s25 =	sadd.s32 $0xC00, s22;
	[dreg:$0x17] =	wrdreg s8  }
0xb3: {  	s18 =	sadd.s32 $0xB00, s22;
	s30 =	sadd.s32 $0x8700, s22;
	[dreg:$0x8] =	wrdreg s25;
	(v2sf) =	vpush v1, $0x1  }
0xb4: {  	s8 =	sadd.s32 $0xD80, s22;
	[dreg:$0xb] =	wrdreg s18;
	s31 =	sadd.s32 $0x10A00, s22  }
0xb5: {  	s18 =	sadd.s32 $0x8D80, s22;
	s16 =	sadd.s32 $0x8800, s22;
	[dreg:$0x12] =	wrdreg s31;
	(v2sf) =	vpush v3, $0x2  }
0xb6: {  	s3 =	sadd.s32 $0x700, s22;
	s17 =	sadd.s32 $0x10800, s22;
	[dreg:$0x1d] =	wrdreg s16  }
0xb7: {  	s23 =	sadd.s32 $0x10, s23;
	s31 =	sadd.s32 $0xB80, s22;
	[dreg:$0x1b] =	wrdreg s17;
	(v2sf) =	vpush v2, $0x2  }
0xb8: {  	s16 =	sadd.s32 $0x680, s22;
	s17 =	sadd.s32 $0x8C00, s22;
	s12 =	spop (v2sf)  }
0xb9: {  	[dreg:$0xf] =	wrdreg s31;
	(v2sf) =	vpush v1, $0x2;
	s31 =	sand.u32 $0x1FFFFFF0, s12;
	s24 =	spop (v2sf)  }
0xba: {  	[dreg:$0x7] =	wrdreg s17;
	s31 =	sadd.s32 s14, s31;
	s25 =	spop (v2sf)  }
0xbb: {  	[tilespmem:s13], [sflag:$0x1] =	stream.linear.gather [hbm4b:s31+s2], $0x80, $0x38;
	[tilespmem:$0x18A00] =	vst v63  }
0xbc: {  	s17 =	sadd.s32 $0x8680, s22;
	s24 =	sand.u32 $0x1FFFFFF0, s24;
	s12 =	spop (v2sf)  }
0xbd: {  	(v2sf) =	vpush v3, $0x3;
	s25 =	sand.u32 $0x1FFFFFF0, s25;
	s31 =	sand.u32 $0x1FFFFFF0, s12;
	s12 =	sadd.s32 $0x10B00, s22  }
0xbe: {  	s13 =	sadd.s32 $0x8C80, s22;
	(v2sf) =	vpush v2, $0x3;
	s24 =	sadd.s32 s4, s24;
	[dreg:$0x15] =	wrdreg s12  }
0xbf: {  	[tilespmem:s15], [sflag:$0x1] =	stream.linear.gather [hbm4b:s24+s2], $0x80, $0x38;
	[tilespmem:$0x18A00] =	vst v63  }
0xc0: {  	(v2sf) =	vpush v1, $0x3;
	s24 =	sadd.s32 s4, s25;
	s25 =	sadd.s32 $0x10C00, s22;
	s12 =	spop (v2sf)  }
0xc1: {  	(v2sf) =	vpush v3, $0x4;
	[tilespmem:s19], [sflag:$0x1] =	stream.linear.gather [hbm4b:s24+s2], $0x80, $0x38;
	[tilespmem:$0x18A00] =	vst v63  }
0xc2: {  	s19 =	sadd.s32 s14, s31;
	s31 =	sand.u32 $0x1FFFFFF0, s12;
	s12 =	spop (v2sf)  }
0xc3: {  	(v2sf) =	vpush v2, $0x4;
	[tilespmem:s16], [sflag:$0x1] =	stream.linear.gather [hbm4b:s19+s2], $0x80, $0x38;
	[tilespmem:$0x18A00] =	vst v63  }
0xc4: {  	s19 =	sadd.s32 s4, s31;
	s31 =	sand.u32 $0x1FFFFFF0, s12;
	s12 =	spop (v2sf)  }
0xc5: {  	[tilespmem:s17], [sflag:$0x1] =	stream.linear.gather [hbm4b:s19+s2], $0x80, $0x38;
	[tilespmem:$0x18A00] =	vst v63  }
0xc6: {  	s16 =	sadd.s32 s4, s31;
	s24 =	spop (v2sf);
	s17 =	sand.u32 $0x1FFFFFF0, s12  }
0xc7: {  	(v2sf) =	vpush v1, $0x4;
	[tilespmem:s28], [sflag:$0x1] =	stream.linear.gather [hbm4b:s16+s2], $0x80, $0x38;
	[tilespmem:$0x18A00] =	vst v63  }
0xc8: {  	(v2sf) =	vpush v3, $0x5;
	s31 =	sand.u32 $0x1FFFFFF0, s24;
	s28 =	sadd.s32 s14, s17;
	s12 =	spop (v2sf)  }
0xc9: {  	[tilespmem:s3], [sflag:$0x1] =	stream.linear.gather [hbm4b:s28+s2], $0x80, $0x38;
	[tilespmem:$0x18A00] =	vst v63  }
0xca: {  	s19 =	smov.u32 s20;
	s15 =	sadd.s32 s4, s31;
	s16 =	sand.u32 $0x1FFFFFF0, s12  }
0xcb: {  	[tilespmem:s30], [sflag:$0x1] =	stream.linear.gather [hbm4b:s15+s2], $0x80, $0x38;
	[tilespmem:$0x18A00] =	vst v63  }
0xcc: {  	s17 =	smov.u32 s10;
	(v2sf) =	vpush v2, $0x5;
	s20 =	spop (v2sf);
	s24 =	sadd.s32 s4, s16  }
0xcd: {  	s16 =	smov.u32 s6;
	s28 =	sand.u32 $0x1FFFFFF0, s20;
	s30 =	spop (v2sf)  }
0xce: {  	(v2sf) =	vpush v1, $0x5;
	[tilespmem:s21], [sflag:$0x1] =	stream.linear.gather [hbm4b:s24+s2], $0x80, $0x38;
	[tilespmem:$0x18A00] =	vst v63  }
0xcf: {  	s31 =	sadd.s32 s14, s28;
	s10 =	sand.u32 $0x1FFFFFF0, s30;
	s12 =	spop (v2sf)  }
0xd0: {  	(v2sf) =	vpush v3, $0x6;
	s28 =	rddreg [dreg:$0x1e];
	s21 =	sand.u32 $0x1FFFFFF0, s12;
	s24 =	spop (v2sf)  }
0xd1: {  	(v2sf) =	vpush v2, $0x6;
	[tilespmem:s5], [sflag:$0x1] =	stream.linear.gather [hbm4b:s31+s2], $0x80, $0x38;
	[tilespmem:$0x18A00] =	vst v63  }
0xd2: {  	s20 =	sadd.s32 s4, s10;
	s30 =	sadd.s32 s4, s21;
	s6 =	spop (v2sf)  }
0xd3: {  	(v2sf) =	vpush v1, $0x6;
	[tilespmem:s28], [sflag:$0x1] =	stream.linear.gather [hbm4b:s20+s2], $0x80, $0x38;
	[tilespmem:$0x18A00] =	vst v63  }
0xd4: {  	s31 =	sand.u32 $0x1FFFFFF0, s24;
	s24 =	rddreg [dreg:$0x1d];
	s10 =	sand.u32 $0x1FFFFFF0, s6  }
0xd5: {  	[tilespmem:s7], [sflag:$0x1] =	stream.linear.gather [hbm4b:s30+s2], $0x80, $0x38;
	[tilespmem:$0x18A00] =	vst v63  }
0xd6: {  	(v2sf) =	vpush v3, $0x7;
	s12 =	spop (v2sf);
	s15 =	sadd.s32 s4, s10;
	s7 =	sadd.s32 s14, s31  }
0xd7: {  	s20 =	sand.u32 $0x1FFFFFF0, s12;
	s21 =	spop (v2sf);
	s31 =	rddreg [dreg:$0x1b]  }
0xd8: {  	(v2sf) =	vpush v2, $0x7;
	[tilespmem:s29], [sflag:$0x1] =	stream.linear.gather [hbm4b:s7+s2], $0x80, $0x38;
	[tilespmem:$0x18A00] =	vst v63  }
0xd9: {  	s12 =	rddreg [dreg:$0x1f];
	s28 =	sadd.s32 s4, s20;
	s29 =	sand.u32 $0x1FFFFFF0, s21  }
0xda: {  	(v2sf) =	vpush v1, $0x7;
	[tilespmem:s24], [sflag:$0x1] =	stream.linear.gather [hbm4b:s15+s2], $0x80, $0x38;
	[tilespmem:$0x18A00] =	vst v63  }
0xdb: {  	s6 =	sadd.s32 s14, s29;
	s24 =	rddreg [dreg:$0x1a];
	s30 =	spop (v2sf)  }
0xdc: {  	[tilespmem:s31], [sflag:$0x1] =	stream.linear.gather [hbm4b:s28+s2], $0x80, $0x38;
	[tilespmem:$0x18A00] =	vst v63  }
0xdd: {  	s7 =	sand.u32 $0x1FFFFFF0, s30;
	s31 =	rddreg [dreg:$0x1c];
	s10 =	spop (v2sf)  }
0xde: {  	(v2sf) =	vpush v3, $0x8;
	[tilespmem:s12], [sflag:$0x1] =	stream.linear.gather [hbm4b:s6+s2], $0x80, $0x38;
	[tilespmem:$0x18A00] =	vst v63  }
0xdf: {  	s15 =	sadd.s32 s4, s7;
	s20 =	sand.u32 $0x1FFFFFF0, s10;
	s21 =	spop (v2sf)  }
0xe0: {  	(v2sf) =	vpush v2, $0x8;
	s12 =	sld [smem:$0x7F5];
	s29 =	sand.u32 $0x1FFFFFF0, s21;
	s30 =	spop (v2sf)  }
0xe1: {  	[tilespmem:s24], [sflag:$0x1] =	stream.linear.gather [hbm4b:s15+s2], $0x80, $0x38;
	[tilespmem:$0x18A00] =	vst v63  }
0xe2: {  	s28 =	sadd.s32 s4, s20;
	s6 =	sadd.s32 s14, s29;
	s10 =	spop (v2sf)  }
0xe3: {  	(v2sf) =	vpush v1, $0x8;
	s7 =	sand.u32 $0x1FFFFFF0, s30;
	s24 =	rddreg [dreg:$0x18];
	s20 =	sand.u32 $0x1FFFFFF0, s10  }
0xe4: {  	(v2sf) =	vpush v3, $0x9;
	[tilespmem:s31], [sflag:$0x1] =	stream.linear.gather [hbm4b:s28+s2], $0x80, $0x38;
	[tilespmem:$0x18A00] =	vst v63  }
0xe5: {  	(v2sf) =	vpush v2, $0x9;
	s15 =	sadd.s32 s4, s7;
	s21 =	spop (v2sf);
	s28 =	sadd.s32 s4, s20  }
0xe6: {  	[tilespmem:s12], [sflag:$0x1] =	stream.linear.gather [hbm4b:s6+s2], $0x80, $0x38;
	[tilespmem:$0x18A00] =	vst v63  }
0xe7: {  	(v2sf) =	vpush v1, $0x9;
	s31 =	rddreg [dreg:$0x19];
	s29 =	sand.u32 $0x1FFFFFF0, s21;
	s30 =	spop (v2sf)  }
0xe8: {  	[tilespmem:s24], [sflag:$0x1] =	stream.linear.gather [hbm4b:s15+s2], $0x80, $0x38;
	[tilespmem:$0x18A00] =	vst v63  }
0xe9: {  	s5 =	sadd.s32 s14, s29;
	s6 =	sand.u32 $0x1FFFFFF0, s30;
	s10 =	spop (v2sf)  }
0xea: {  	[tilespmem:s31], [sflag:$0x1] =	stream.linear.gather [hbm4b:s28+s2], $0x80, $0x38;
	[tilespmem:$0x18A00] =	vst v63  }
0xeb: {  	(v2sf) =	vpush v3, $0xA;
	s12 =	rddreg [dreg:$0x13];
	s15 =	sadd.s32 s4, s6;
	s20 =	sand.u32 $0x1FFFFFF0, s10  }
0xec: {  	(v2sf) =	vpush v2, $0xA;
	[tilespmem:s12], [sflag:$0x1] =	stream.linear.gather [hbm4b:s5+s2], $0x80, $0x38;
	[tilespmem:$0x18A00] =	vst v63  }
0xed: {  	s24 =	rddreg [dreg:$0x17];
	s28 =	sadd.s32 s4, s20;
	s21 =	spop (v2sf)  }
0xee: {  	[tilespmem:s24], [sflag:$0x1] =	stream.linear.gather [hbm4b:s15+s2], $0x80, $0x38;
	[tilespmem:$0x18A00] =	vst v63  }
0xef: {  	s31 =	rddreg [dreg:$0x16];
	s29 =	sand.u32 $0x1FFFFFF0, s21;
	s30 =	spop (v2sf)  }
0xf0: {  	(v2sf) =	vpush v1, $0xA;
	s12 =	rddreg [dreg:$0x11];
	s5 =	sadd.s32 s14, s29;
	s6 =	sand.u32 $0x1FFFFFF0, s30  }
0xf1: {  	[tilespmem:s31], [sflag:$0x1] =	stream.linear.gather [hbm4b:s28+s2], $0x80, $0x38;
	[tilespmem:$0x18A00] =	vst v63  }
0xf2: {  	(v2sf) =	vpush v3, $0xB;
	s24 =	rddreg [dreg:$0x14];
	s10 =	spop (v2sf);
	s15 =	sadd.s32 s4, s6  }
0xf3: {  	s20 =	sand.u32 $0x1FFFFFF0, s10;
	s21 =	spop (v2sf);
	s31 =	rddreg [dreg:$0x12]  }
0xf4: {  	(v2sf) =	vpush v2, $0xB;
	s28 =	sadd.s32 s4, s20;
	s29 =	sand.u32 $0x1FFFFFF0, s21;
	s30 =	spop (v2sf)  }
0xf5: {  	[tilespmem:s12], [sflag:$0x1] =	stream.linear.gather [hbm4b:s5+s2], $0x80, $0x38;
	[tilespmem:$0x18A00] =	vst v63  }
0xf6: {  	s5 =	sadd.s32 s14, s29;
	s6 =	sand.u32 $0x1FFFFFF0, s30;
	s10 =	spop (v2sf)  }
0xf7: {  	[tilespmem:s24], [sflag:$0x1] =	stream.linear.gather [hbm4b:s15+s2], $0x80, $0x38;
	[tilespmem:$0x18A00] =	vst v63  }
0xf8: {  	(v2sf) =	vpush v1, $0xB;
	s12 =	rddreg [dreg:$0xe];
	s15 =	sadd.s32 s4, s6;
	s20 =	sand.u32 $0x1FFFFFF0, s10  }
0xf9: {  	[tilespmem:s31], [sflag:$0x1] =	stream.linear.gather [hbm4b:s28+s2], $0x80, $0x38;
	[tilespmem:$0x18A00] =	vst v63  }
0xfa: {  	(v2sf) =	vpush v3, $0xC;
	s24 =	rddreg [dreg:$0x10];
	s21 =	spop (v2sf);
	s28 =	sadd.s32 s4, s20  }
0xfb: {  	s29 =	sand.u32 $0x1FFFFFF0, s21;
	s30 =	spop (v2sf);
	s31 =	rddreg [dreg:$0xc]  }
0xfc: {  	[tilespmem:s12], [sflag:$0x1] =	stream.linear.gather [hbm4b:s5+s2], $0x80, $0x38;
	[tilespmem:$0x18A00] =	vst v63  }
0xfd: {  	s6 =	sand.u32 $0x1FFFFFF0, s30;
	s5 =	sadd.s32 s14, s29;
	s12 =	rddreg [dreg:$0xb]  }
0xfe: {  	(v2sf) =	vpush v2, $0xC;
	[tilespmem:s24], [sflag:$0x1] =	stream.linear.gather [hbm4b:s15+s2], $0x80, $0x38;
	[tilespmem:$0x18A00] =	vst v63  }
0xff: {  	s15 =	sadd.s32 s4, s6;
	s24 =	rddreg [dreg:$0x9];
	s10 =	spop (v2sf)  }
0x100: {  	(v2sf) =	vpush v1, $0xC;
	[tilespmem:s31], [sflag:$0x1] =	stream.linear.gather [hbm4b:s28+s2], $0x80, $0x38;
	[tilespmem:$0x18A00] =	vst v63  }
0x101: {  	(v2sf) =	vpush v3, $0xD;
	s20 =	sand.u32 $0x1FFFFFF0, s10;
	s31 =	rddreg [dreg:$0x15];
	s21 =	spop (v2sf)  }
0x102: {  	[tilespmem:s12], [sflag:$0x1] =	stream.linear.gather [hbm4b:s5+s2], $0x80, $0x38;
	[tilespmem:$0x18A00] =	vst v63  }
0x103: {  	(v2sf) =	vpush v2, $0xD;
	s28 =	sadd.s32 s4, s20;
	s29 =	sand.u32 $0x1FFFFFF0, s21;
	s30 =	spop (v2sf)  }
0x104: {  	[tilespmem:s24], [sflag:$0x1] =	stream.linear.gather [hbm4b:s15+s2], $0x80, $0x38;
	[tilespmem:$0x18A00] =	vst v63  }
0x105: {  	s7 =	sadd.s32 s14, s29;
	s10 =	sand.u32 $0x1FFFFFF0, s30;
	s15 =	rddreg [dreg:$0xf]  }
0x106: {  	[tilespmem:s31], [sflag:$0x1] =	stream.linear.gather [hbm4b:s28+s2], $0x80, $0x38;
	[tilespmem:$0x18A00] =	vst v63  }
0x107: {  	s12 =	spop (v2sf);
	s20 =	sadd.s32 s4, s10;
	s10 =	rddreg [dreg:$0xa]  }
0x108: {  	[tilespmem:s15], [sflag:$0x1] =	stream.linear.gather [hbm4b:s7+s2], $0x80, $0x38;
	[tilespmem:$0x18A00] =	vst v63  }
0x109: {  	s21 =	sand.u32 $0x1FFFFFF0, s12;
	s24 =	spop (v2sf);
	s28 =	rddreg [dreg:$0xd]  }
0x10a: {  	[tilespmem:s28], [sflag:$0x1] =	stream.linear.gather [hbm4b:s20+s2], $0x80, $0x38;
	[tilespmem:$0x18A00] =	vst v63  }
0x10b: {  	s29 =	sadd.s32 s4, s21;
	s30 =	sand.u32 $0x1FFFFFF0, s24;
	s21 =	rddreg [dreg:$0x8]  }
0x10c: {  	[tilespmem:s10], [sflag:$0x1] =	stream.linear.gather [hbm4b:s29+s2], $0x80, $0x38;
	[tilespmem:$0x18A00] =	vst v63  }
0x10d: {  	(v2sf) =	vpush v1, $0xD;
	s31 =	spop (v2sf);
	s12 =	sadd.s32 s14, s30;
	s30 =	rddreg [dreg:$0x7]  }
0x10e: {  	(v2sf) =	vpush v3, $0xE;
	[tilespmem:s21], [sflag:$0x1] =	stream.linear.gather [hbm4b:s12+s2], $0x80, $0x38;
	[tilespmem:$0x18A00] =	vst v63  }
.Ltmp0:
0x10f: {  	(v2sf) =	vpush v2, $0xE;
	s15 =	sand.u32 $0x1FFFFFF0, s31;
	s20 =	spop (v2sf);
	(pc) =	sbr.rel @p1 .LBB2_3-.Ltmp0, $4  }
0x110: {  	(v2sf) =	vpush v1, $0xE;
	s24 =	sadd.s32 s4, s15;
	s28 =	sand.u32 $0x1FFFFFF0, s20;
	s29 =	spop (v2sf)  }
0x111: {  	(v2sf) =	vpush v3, $0xF;
	[tilespmem:s30], [sflag:$0x1] =	stream.linear.gather [hbm4b:s24+s2], $0x80, $0x38;
	[tilespmem:$0x18A00] =	vst v63  }
0x112: {  	(v2sf) =	vpush v2, $0xF;
	s31 =	sadd.s32 s4, s28;
	s3 =	sand.u32 $0x1FFFFFF0, s29;
	s5 =	spop (v2sf)  }
0x113: {  	(v2sf) =	vpush v1, $0xF;
	[tilespmem:s25], [sflag:$0x1] =	stream.linear.gather [hbm4b:s31+s2], $0x80, $0x38;
	[tilespmem:$0x18A00] =	vst v63  }
0x114: {  	_ =	sdelay $0x3  }
0x115: {  	s3 =	sadd.s32 s14, s3;
	s5 =	sand.u32 $0x1FFFFFF0, s5  }
0x116: {  	[tilespmem:s19], [sflag:$0x1] =	stream.linear.gather [hbm4b:s3+s2], $0x80, $0x38;
	[tilespmem:$0x18A00] =	vst v63  }
0x117: {  	s25 =	sadd.s32 s4, s5  }
0x118: {  	[tilespmem:s13], [sflag:$0x1] =	stream.linear.gather [hbm4b:s25+s2], $0x80, $0x38;
	[tilespmem:$0x18A00] =	vst v63  }
0x119: {  	s6 =	spop (v2sf)  }
0x11a: {  	s26 =	sand.u32 $0x1FFFFFF0, s6;
	s28 =	spop (v2sf)  }
0x11b: {  	s29 =	sadd.s32 s4, s26;
	s30 =	sand.u32 $0x1FFFFFF0, s28;
	s31 =	spop (v2sf)  }
0x11c: {  	[tilespmem:s9], [sflag:$0x1] =	stream.linear.gather [hbm4b:s29+s2], $0x80, $0x38;
	[tilespmem:$0x18A00] =	vst v63  }
0x11d: {  	s7 =	sadd.s32 s14, s30;
	s9 =	sand.u32 $0x1FFFFFF0, s31;
	s10 =	spop (v2sf)  }
0x11e: {  	[tilespmem:s1], [sflag:$0x1] =	stream.linear.gather [hbm4b:s7+s2], $0x80, $0x38;
	[tilespmem:$0x18A00] =	vst v63  }
0x11f: {  	s12 =	sadd.s32 s4, s9;
	s13 =	sand.u32 $0x1FFFFFF0, s10;
	s15 =	spop (v2sf)  }
0x120: {  	[tilespmem:s0], [sflag:$0x1] =	stream.linear.gather [hbm4b:s12+s2], $0x80, $0x38;
	[tilespmem:$0x18A00] =	vst v63  }
0x121: {  	s16 =	sadd.s32 s4, s13;
	s17 =	sand.u32 $0x1FFFFFF0, s15;
	s19 =	spop (v2sf)  }
0x122: {  	[tilespmem:s11], [sflag:$0x1] =	stream.linear.gather [hbm4b:s16+s2], $0x80, $0x38;
	[tilespmem:$0x18A00] =	vst v63  }
0x123: {  	s20 =	sadd.s32 s14, s17;
	s21 =	sand.u32 $0x1FFFFFF0, s19;
	s23 =	spop (v2sf)  }
0x124: {  	[tilespmem:s8], [sflag:$0x1] =	stream.linear.gather [hbm4b:s20+s2], $0x80, $0x38;
	[tilespmem:$0x18A00] =	vst v63  }
0x125: {  	s24 =	sadd.s32 s4, s21;
	s25 =	sand.u32 $0x1FFFFFF0, s23  }
0x126: {  	[tilespmem:s18], [sflag:$0x1] =	stream.linear.gather [hbm4b:s24+s2], $0x80, $0x38;
	[tilespmem:$0x18A00] =	vst v63  }
0x127: {  	s26 =	sadd.s32 $0x10D80, s22;
	s28 =	simm.s32 $0x1;
	s1 =	sadd.s32 s4, s25  }
0x128: {  	[tilespmem:s26], [sflag:$0x1] =	stream.linear.gather [hbm4b:s1+s2], $0x80, $0x38;
	[tilespmem:$0x18A00] =	vst v63  }
0x129: {  	s29 =	simm.s32 $0x0;
	_ =	swait.ge [sflag:s28], $0x8000  }
0x12a: {  	v1 =	vmov s29;
	[sflag:s28] =	ssyncset.done $0x0  }
0x12b: {  	v1 =	vshll.u32 v1, $0x7;
	[sflag:s28] =	ssyncadd.s32 $0xFFFF8000  }
0x12c: {  	v31 =	vor.u32 v0, v1;
	_ =	swait.ge [sflag:s28], $0x8000  }
0x12d: {  	v5 =	vor.u32 $0x1F, v31;
	[sflag:s28] =	ssyncset.done $0x0  }
0x12e: {  	v8 =	vor.u32 $0x1C, v31;
	[sflag:s28] =	ssyncadd.s32 $0xFFFF8000  }
0x12f: {  	v10 =	vor.u32 $0x1B, v31;
	_ =	swait.ge [sflag:s28], $0x8000  }
0x130: {  	v12 =	vor.u32 $0x1A, v31;
	[sflag:s28] =	ssyncset.done $0x0  }
0x131: {  	s3 =	simm.s32 $0x8600;
	v14 =	vor.u32 $0x19, v31;
	[sflag:s28] =	ssyncadd.s32 $0xFFFF8000  }
0x132: {  	v16 =	vor.u32 $0x18, v31;
	v1 =	vld.idx.msk [tilespmem:v5+s3+$0x0], $0xffff  }
0x133: {  	v18 =	vor.u32 $0x17, v31;
	v7 =	vld.idx.msk [tilespmem:v8+s3+$0x0], $0xffff  }
0x134: {  	v20 =	vor.u32 $0x16, v31;
	v9 =	vld.idx.msk [tilespmem:v10+s3+$0x0], $0xffff  }
0x135: {  	v22 =	vor.u32 $0x15, v31;
	v11 =	vld.idx.msk [tilespmem:v12+s3+$0x0], $0xffff  }
0x136: {  	v24 =	vor.u32 $0x14, v31;
	v13 =	vld.idx.msk [tilespmem:v14+s3+$0x0], $0xffff  }
0x137: {  	v26 =	vor.u32 $0x13, v31;
	v15 =	vld.idx.msk [tilespmem:v16+s3+$0x0], $0xffff  }
0x138: {  	v28 =	vor.u32 $0x12, v31;
	v17 =	vld.idx.msk [tilespmem:v18+s3+$0x0], $0xffff  }
0x139: {  	v30 =	vor.u32 $0x11, v31;
	v19 =	vld.idx.msk [tilespmem:v20+s3+$0x0], $0xffff  }
0x13a: {  	v32 =	vor.u32 $0x10, v31;
	v21 =	vld.idx.msk [tilespmem:v22+s3+$0x0], $0xffff  }
0x13b: {  	v33 =	vor.u32 $0xF, v31;
	v23 =	vld.idx.msk [tilespmem:v24+s3+$0x0], $0xffff  }
0x13c: {  	v34 =	vor.u32 $0xE, v31;
	v25 =	vld.idx.msk [tilespmem:v26+s3+$0x0], $0xffff  }
0x13d: {  	v35 =	vor.u32 $0xD, v31;
	v27 =	vld.idx.msk [tilespmem:v28+s3+$0x0], $0xffff  }
0x13e: {  	v37 =	vor.u32 $0xB, v31;
	v29 =	vld.idx.msk [tilespmem:v30+s3+$0x0], $0xffff  }
0x13f: {  	v42 =	vor.u32 $0x4, v31;
	v38 =	vld.idx.msk [tilespmem:v32+s3+$0x0], $0xffff  }
0x140: {  	v44 =	vor.u32 $0x3, v31;
	v40 =	vld.idx.msk [tilespmem:v33+s3+$0x0], $0xffff  }
0x141: {  	v46 =	vor.u32 $0x2, v31;
	v41 =	vld.idx.msk [tilespmem:v34+s3+$0x0], $0xffff  }
0x142: {  	v48 =	vor.u32 $0x1, v31;
	v43 =	vld.idx.msk [tilespmem:v35+s3+$0x0], $0xffff  }
0x143: {  	v47 =	vld.idx.msk [tilespmem:v37+s3+$0x0], $0xffff  }
0x144: {  	v50 =	vld.idx.msk [tilespmem:v42+s3+$0x0], $0xffff  }
0x145: {  	v51 =	vld.idx.msk [tilespmem:v44+s3+$0x0], $0xffff  }
0x146: {  	v52 =	vld.idx.msk [tilespmem:v46+s3+$0x0], $0xffff  }
0x147: {  	v53 =	vld.idx.msk [tilespmem:v48+s3+$0x0], $0xffff  }
0x148: {  	v4 =	vor.u32 $0x1E, v31;
	s1 =	simm.s32 $0x600;
	v54 =	vld.idx.msk [tilespmem:v31+s3+$0x0], $0xffff  }
0x149: {  	s5 =	simm.s32 $0x10600;
	v55 =	vld.idx.msk [tilespmem:v31+s1+$0x0], $0xffff  }
0x14a: {  	v56 =	vld.idx.msk [tilespmem:v31+s5+$0x0], $0xffff  }
0x14b: {  	v57 =	vld.idx.msk [tilespmem:v48+s1+$0x0], $0xffff  }
0x14c: {  	v48 =	vld.idx.msk [tilespmem:v48+s5+$0x0], $0xffff  }
0x14d: {  	v6 =	vor.u32 $0x1D, v31;
	[tilespmem:$0x1FFB0] =	vst v1;
	v1 =	vld.idx.msk [tilespmem:v4+s3+$0x0], $0xffff  }
0x14e: {  	v59 =	vor.u32 $0x9, v31;
	v58 =	vld.idx.msk [tilespmem:v46+s1+$0x0], $0xffff  }
0x14f: {  	v62 =	vor.u32 $0x7, v31;
	v46 =	vld.idx.msk [tilespmem:v46+s5+$0x0], $0xffff  }
0x150: {  	v36 =	vor.u32 $0xC, v31;
	v63 =	vor.u32 $0x6, v31;
	v61 =	vld.idx.msk [tilespmem:v44+s1+$0x0], $0xffff  }
0x151: {  	v39 =	vor.u32 $0xA, v31;
	v60 =	vor.u32 $0x8, v31;
	v44 =	vld.idx.msk [tilespmem:v44+s5+$0x0], $0xffff;
	v31 =	vor.u32 $0x5, v31  }
0x152: {  	[tilespmem:$0x1FFA0] =	vst v1;
	v1 =	vld.idx.msk [tilespmem:v6+s3+$0x0], $0xffff  }
0x153: {  	v3 =	vld.idx.msk [tilespmem:v59+s3+$0x0], $0xffff  }
0x154: {  	v2 =	vld.idx.msk [tilespmem:v62+s3+$0x0], $0xffff;
	v54 =	vmul.f32 v54, v55;
	v55 =	vmul.f32 v56, v55  }
0x155: {  	v53 =	vmul.f32 v53, v57;
	v48 =	vmul.f32 v48, v57;
	v57 =	vld.idx.msk [tilespmem:v63+s3+$0x0], $0xffff  }
0x156: {  	v52 =	vmul.f32 v52, v58;
	v46 =	vmul.f32 v46, v58;
	v58 =	vld.idx.msk [tilespmem:v31+s1+$0x0], $0xffff;
	v54 =	vadd.f32 $0.0e+00, v54  }
0x157: {  	v55 =	vadd.f32 $0.0e+00, v55;
	[tilespmem:$0x1FF90] =	vst v1;
	v1 =	vld.idx.msk [tilespmem:v42+s1+$0x0], $0xffff  }
0x158: {  	v53 =	vadd.f32 v53, v54;
	v42 =	vld.idx.msk [tilespmem:v42+s5+$0x0], $0xffff  }
0x159: {  	v54 =	vld.idx.msk [tilespmem:v31+s3+$0x0], $0xffff;
	v48 =	vadd.f32 v48, v55  }
0x15a: {  	v51 =	vmul.f32 v51, v61;
	v31 =	vld.idx.msk [tilespmem:v31+s5+$0x0], $0xffff;
	v52 =	vadd.f32 v52, v53  }
0x15b: {  	v44 =	vmul.f32 v44, v61;
	v46 =	vadd.f32 v46, v48;
	v48 =	vld.idx.msk [tilespmem:v63+s1+$0x0], $0xffff  }
0x15c: {  	v56 =	vld.idx.msk [tilespmem:v60+s3+$0x0], $0xffff;
	v51 =	vadd.f32 v51, v52;
	v50 =	vmul.f32 v50, v1  }
0x15d: {  	v44 =	vadd.f32 v44, v46;
	v1 =	vmul.f32 v42, v1;
	v42 =	vld.idx.msk [tilespmem:v62+s1+$0x0], $0xffff  }
0x15e: {  	v52 =	vld.idx.msk [tilespmem:v63+s5+$0x0], $0xffff;
	v63 =	vmul.f32 v54, v58;
	v61 =	vadd.f32 v50, v51  }
0x15f: {  	v1 =	vadd.f32 v1, v44;
	v44 =	vld.idx.msk [tilespmem:v60+s1+$0x0], $0xffff  }
0x160: {  	v31 =	vmul.f32 v31, v58;
	v58 =	vld.idx.msk [tilespmem:v60+s5+$0x0], $0xffff;
	v60 =	vmul.f32 v57, v48;
	v46 =	vadd.f32 v63, v61  }
0x161: {  	v61 =	vld.idx.msk [tilespmem:v59+s1+$0x0], $0xffff  }
0x162: {  	v49 =	vld.idx.msk [tilespmem:v39+s3+$0x0], $0xffff;
	v2 =	vmul.f32 v2, v42;
	v46 =	vadd.f32 v60, v46  }
0x163: {  	v1 =	vadd.f32 v31, v1;
	v63 =	vld.idx.msk [tilespmem:v39+s1+$0x0], $0xffff  }
0x164: {  	v50 =	vld.idx.msk [tilespmem:v62+s5+$0x0], $0xffff;
	v31 =	vmul.f32 v52, v48;
	v52 =	vmul.f32 v56, v44;
	v2 =	vadd.f32 v2, v46  }
0x165: {  	v55 =	vld.idx.msk [tilespmem:v37+s1+$0x0], $0xffff  }
0x166: {  	v45 =	vld.idx.msk [tilespmem:v36+s3+$0x0], $0xffff;
	v3 =	vmul.f32 v3, v61;
	v2 =	vadd.f32 v52, v2  }
0x167: {  	v56 =	vld.idx.msk [tilespmem:v36+s1+$0x0], $0xffff  }
0x168: {  	v62 =	vld.idx.msk [tilespmem:v59+s5+$0x0], $0xffff;
	v2 =	vadd.f32 v3, v2;
	v3 =	vmul.f32 v49, v63  }
0x169: {  	v57 =	vld.idx.msk [tilespmem:v35+s1+$0x0], $0xffff;
	v1 =	vadd.f32 v31, v1;
	v31 =	vmul.f32 v50, v42  }
0x16a: {  	v39 =	vld.idx.msk [tilespmem:v39+s5+$0x0], $0xffff;
	v2 =	vadd.f32 v3, v2;
	v3 =	vmul.f32 v47, v55  }
0x16b: {  	v1 =	vadd.f32 v31, v1;
	v31 =	vmul.f32 v58, v44;
	v58 =	vld.idx.msk [tilespmem:v34+s1+$0x0], $0xffff  }
0x16c: {  	v37 =	vld.idx.msk [tilespmem:v37+s5+$0x0], $0xffff;
	v2 =	vadd.f32 v3, v2;
	v3 =	vmul.f32 v45, v56  }
0x16d: {  	v59 =	vld.idx.msk [tilespmem:v33+s1+$0x0], $0xffff;
	v1 =	vadd.f32 v31, v1;
	v31 =	vmul.f32 v62, v61  }
0x16e: {  	v36 =	vld.idx.msk [tilespmem:v36+s5+$0x0], $0xffff;
	v2 =	vadd.f32 v3, v2;
	v3 =	vmul.f32 v43, v57  }
0x16f: {  	v60 =	vld.idx.msk [tilespmem:v32+s1+$0x0], $0xffff;
	v1 =	vadd.f32 v31, v1;
	v31 =	vmul.f32 v39, v63  }
0x170: {  	v35 =	vld.idx.msk [tilespmem:v35+s5+$0x0], $0xffff;
	v2 =	vadd.f32 v3, v2;
	v3 =	vmul.f32 v41, v58  }
0x171: {  	v61 =	vld.idx.msk [tilespmem:v30+s1+$0x0], $0xffff;
	v1 =	vadd.f32 v31, v1;
	v31 =	vmul.f32 v37, v55  }
0x172: {  	v34 =	vld.idx.msk [tilespmem:v34+s5+$0x0], $0xffff;
	v2 =	vadd.f32 v3, v2;
	v3 =	vmul.f32 v40, v59  }
0x173: {  	v62 =	vld.idx.msk [tilespmem:v28+s1+$0x0], $0xffff;
	v1 =	vadd.f32 v31, v1;
	v31 =	vmul.f32 v36, v56  }
0x174: {  	v33 =	vld.idx.msk [tilespmem:v33+s5+$0x0], $0xffff;
	v2 =	vadd.f32 v3, v2;
	v3 =	vmul.f32 v38, v60  }
0x175: {  	v63 =	vld.idx.msk [tilespmem:v26+s1+$0x0], $0xffff;
	v1 =	vadd.f32 v31, v1;
	v31 =	vmul.f32 v35, v57  }
0x176: {  	v32 =	vld.idx.msk [tilespmem:v32+s5+$0x0], $0xffff;
	v2 =	vadd.f32 v3, v2;
	v3 =	vmul.f32 v29, v61  }
0x177: {  	v1 =	vadd.f32 v31, v1;
	v31 =	vmul.f32 v34, v58;
	v29 =	vld.idx.msk [tilespmem:v24+s1+$0x0], $0xffff  }
0x178: {  	v30 =	vld.idx.msk [tilespmem:v30+s5+$0x0], $0xffff;
	v2 =	vadd.f32 v3, v2;
	v3 =	vmul.f32 v27, v62  }
0x179: {  	v1 =	vadd.f32 v31, v1;
	v31 =	vmul.f32 v33, v59;
	v27 =	vld.idx.msk [tilespmem:v22+s1+$0x0], $0xffff  }
0x17a: {  	v28 =	vld.idx.msk [tilespmem:v28+s5+$0x0], $0xffff;
	v2 =	vadd.f32 v3, v2;
	v3 =	vmul.f32 v25, v63  }
0x17b: {  	v1 =	vadd.f32 v31, v1;
	v31 =	vmul.f32 v32, v60;
	v25 =	vld.idx.msk [tilespmem:v20+s1+$0x0], $0xffff  }
0x17c: {  	v26 =	vld.idx.msk [tilespmem:v26+s5+$0x0], $0xffff;
	v2 =	vadd.f32 v3, v2;
	v3 =	vmul.f32 v23, v29  }
0x17d: {  	v30 =	vmul.f32 v30, v61;
	v1 =	vadd.f32 v31, v1;
	v23 =	vld.idx.msk [tilespmem:v18+s1+$0x0], $0xffff  }
0x17e: {  	v24 =	vld.idx.msk [tilespmem:v24+s5+$0x0], $0xffff;
	v2 =	vadd.f32 v3, v2;
	v3 =	vmul.f32 v21, v27  }
0x17f: {  	v28 =	vmul.f32 v28, v62;
	v1 =	vadd.f32 v30, v1;
	v21 =	vld.idx.msk [tilespmem:v16+s1+$0x0], $0xffff  }
0x180: {  	v22 =	vld.idx.msk [tilespmem:v22+s5+$0x0], $0xffff;
	v2 =	vadd.f32 v3, v2;
	v3 =	vmul.f32 v19, v25  }
0x181: {  	v26 =	vmul.f32 v26, v63;
	v1 =	vadd.f32 v28, v1;
	v19 =	vld.idx.msk [tilespmem:v14+s1+$0x0], $0xffff  }
0x182: {  	v20 =	vld.idx.msk [tilespmem:v20+s5+$0x0], $0xffff;
	v2 =	vadd.f32 v3, v2;
	v3 =	vmul.f32 v17, v23  }
0x183: {  	v24 =	vmul.f32 v24, v29;
	v1 =	vadd.f32 v26, v1;
	v17 =	vld.idx.msk [tilespmem:v12+s1+$0x0], $0xffff  }
0x184: {  	v18 =	vld.idx.msk [tilespmem:v18+s5+$0x0], $0xffff;
	v2 =	vadd.f32 v3, v2;
	v3 =	vmul.f32 v15, v21  }
0x185: {  	v22 =	vmul.f32 v22, v27;
	v1 =	vadd.f32 v24, v1;
	v15 =	vld.idx.msk [tilespmem:v10+s1+$0x0], $0xffff  }
0x186: {  	v16 =	vld.idx.msk [tilespmem:v16+s5+$0x0], $0xffff;
	v2 =	vadd.f32 v3, v2;
	v3 =	vmul.f32 v13, v19  }
0x187: {  	v20 =	vmul.f32 v20, v25;
	v1 =	vadd.f32 v22, v1;
	v13 =	vld.idx.msk [tilespmem:v8+s1+$0x0], $0xffff  }
0x188: {  	v14 =	vld.idx.msk [tilespmem:v14+s5+$0x0], $0xffff;
	v2 =	vadd.f32 v3, v2;
	v3 =	vmul.f32 v11, v17  }
0x189: {  	v18 =	vmul.f32 v18, v23;
	v1 =	vadd.f32 v20, v1  }
0x18a: {  	v12 =	vld.idx.msk [tilespmem:v12+s5+$0x0], $0xffff;
	v2 =	vadd.f32 v3, v2;
	v3 =	vmul.f32 v9, v15  }
0x18b: {  	v16 =	vmul.f32 v16, v21;
	v10 =	vld.idx.msk [tilespmem:v10+s5+$0x0], $0xffff;
	v1 =	vadd.f32 v18, v1  }
0x18c: {  	v8 =	vld.idx.msk [tilespmem:v8+s5+$0x0], $0xffff;
	v2 =	vadd.f32 v3, v2;
	v3 =	vmul.f32 v7, v13  }
0x18d: {  	v14 =	vmul.f32 v14, v19;
	v1 =	vadd.f32 v16, v1;
	v11 =	vld.idx.msk [tilespmem:v6+s1+$0x0], $0xffff  }
0x18e: {  	v2 =	vadd.f32 v3, v2;
	v3 =	vld [tilespmem:$0x1FF90]  }
0x18f: {  	v12 =	vmul.f32 v12, v17;
	v1 =	vadd.f32 v14, v1  }
0x190: {  	v6 =	vld.idx.msk [tilespmem:v6+s5+$0x0], $0xffff  }
0x191: {  	v10 =	vmul.f32 v10, v15;
	v1 =	vadd.f32 v12, v1;
	_ =	sdelay $0x1  }
0x192: {  	v9 =	vld.idx.msk [tilespmem:v4+s1+$0x0], $0xffff;
	v8 =	vmul.f32 v8, v13;
	v1 =	vadd.f32 v10, v1;
	v3 =	vmul.f32 v3, v11  }
0x193: {  	v4 =	vld.idx.msk [tilespmem:v4+s5+$0x0], $0xffff  }
0x194: {  	v6 =	vmul.f32 v6, v11;
	v1 =	vadd.f32 v8, v1;
	v2 =	vadd.f32 v3, v2;
	v3 =	vld [tilespmem:$0x1FFA0]  }
0x195: {  	v7 =	vld.idx.msk [tilespmem:v5+s1+$0x0], $0xffff  }
0x196: {  	v6 =	vadd.f32 v6, v1;
	v1 =	vld [tilespmem:$0x1FFB0]  }
0x197: {  	v5 =	vld.idx.msk [tilespmem:v5+s5+$0x0], $0xffff  }
0x198: {  	s30 =	simm.s32 $0x10  }
0x199: {  	v8 =	vmov s30;
	v3 =	vmul.f32 v3, v9  }
0x19a: {  	v4 =	vmul.f32 v4, v9;
	v8 =	vshll.u32 v8, $0x7  }
0x19b: {  	s31 =	sld [smem:$0x7F6];
	v45 =	vor.u32 v0, v8;
	v8 =	vmul.f32 v1, v7;
	v2 =	vadd.f32 v3, v2  }
0x19c: {  	v5 =	vmul.f32 v5, v7;
	v4 =	vadd.f32 v4, v6;
	v1 =	vor.u32 $0x1F, v45  }
0x19d: {  	v3 =	vor.u32 $0x1E, v45;
	v2 =	vadd.f32 v8, v2  }
0x19e: {  	s22 =	sadd.s32 $0x18600, s31;
	v10 =	vor.u32 $0x1B, v45;
	v4 =	vadd.f32 v5, v4  }
0x19f: {  	s21 =	sadd.s32 $0x18800, s31;
	v12 =	vor.u32 $0x1A, v45;
	[tilespmem:s22+$0x0] =	vst v2  }
0x1a0: {  	v14 =	vor.u32 $0x19, v45;
	[tilespmem:s21+$0x0] =	vst v4  }
0x1a1: {  	v16 =	vor.u32 $0x18, v45;
	v63 =	vld.idx.msk [tilespmem:v1+s3+$0x0], $0xffff  }
0x1a2: {  	v18 =	vor.u32 $0x17, v45;
	v2 =	vld.idx.msk [tilespmem:v3+s3+$0x0], $0xffff  }
0x1a3: {  	v20 =	vor.u32 $0x16, v45;
	v9 =	vld.idx.msk [tilespmem:v10+s3+$0x0], $0xffff  }
0x1a4: {  	v22 =	vor.u32 $0x15, v45;
	v11 =	vld.idx.msk [tilespmem:v12+s3+$0x0], $0xffff  }
0x1a5: {  	v24 =	vor.u32 $0x14, v45;
	v13 =	vld.idx.msk [tilespmem:v14+s3+$0x0], $0xffff  }
0x1a6: {  	v26 =	vor.u32 $0x13, v45;
	v15 =	vld.idx.msk [tilespmem:v16+s3+$0x0], $0xffff  }
0x1a7: {  	v28 =	vor.u32 $0x12, v45;
	v17 =	vld.idx.msk [tilespmem:v18+s3+$0x0], $0xffff  }
0x1a8: {  	v30 =	vor.u32 $0x11, v45;
	v19 =	vld.idx.msk [tilespmem:v20+s3+$0x0], $0xffff  }
0x1a9: {  	v32 =	vor.u32 $0x10, v45;
	v21 =	vld.idx.msk [tilespmem:v22+s3+$0x0], $0xffff  }
0x1aa: {  	v34 =	vor.u32 $0xF, v45;
	v23 =	vld.idx.msk [tilespmem:v24+s3+$0x0], $0xffff  }
0x1ab: {  	v36 =	vor.u32 $0xE, v45;
	v25 =	vld.idx.msk [tilespmem:v26+s3+$0x0], $0xffff  }
0x1ac: {  	v6 =	vor.u32 $0x1D, v45;
	v27 =	vld.idx.msk [tilespmem:v28+s3+$0x0], $0xffff  }
0x1ad: {  	v38 =	vor.u32 $0xD, v45;
	v29 =	vld.idx.msk [tilespmem:v30+s3+$0x0], $0xffff  }
0x1ae: {  	v40 =	vor.u32 $0xC, v45;
	v31 =	vld.idx.msk [tilespmem:v32+s3+$0x0], $0xffff  }
0x1af: {  	v42 =	vor.u32 $0xB, v45;
	v33 =	vld.idx.msk [tilespmem:v34+s3+$0x0], $0xffff  }
0x1b0: {  	v44 =	vor.u32 $0xA, v45;
	v35 =	vld.idx.msk [tilespmem:v36+s3+$0x0], $0xffff  }
0x1b1: {  	v8 =	vor.u32 $0x1C, v45;
	[tilespmem:$0x1FFC0] =	vst v2;
	v2 =	vld.idx.msk [tilespmem:v6+s3+$0x0], $0xffff  }
0x1b2: {  	v47 =	vor.u32 $0x9, v45;
	v37 =	vld.idx.msk [tilespmem:v38+s3+$0x0], $0xffff  }
0x1b3: {  	v49 =	vor.u32 $0x8, v45;
	v39 =	vld.idx.msk [tilespmem:v40+s3+$0x0], $0xffff  }
0x1b4: {  	v51 =	vor.u32 $0x7, v45;
	v41 =	vld.idx.msk [tilespmem:v42+s3+$0x0], $0xffff  }
0x1b5: {  	v53 =	vor.u32 $0x6, v45;
	v43 =	vld.idx.msk [tilespmem:v44+s3+$0x0], $0xffff  }
0x1b6: {  	v55 =	vor.u32 $0x5, v45;
	[tilespmem:$0x1FFD0] =	vst v2;
	v2 =	vld.idx.msk [tilespmem:v8+s3+$0x0], $0xffff  }
0x1b7: {  	v46 =	vld.idx.msk [tilespmem:v47+s3+$0x0], $0xffff  }
0x1b8: {  	v48 =	vld.idx.msk [tilespmem:v49+s3+$0x0], $0xffff  }
0x1b9: {  	v50 =	vld.idx.msk [tilespmem:v51+s3+$0x0], $0xffff  }
0x1ba: {  	v56 =	vor.u32 $0x4, v45;
	v52 =	vld.idx.msk [tilespmem:v53+s3+$0x0], $0xffff  }
0x1bb: {  	s23 =	simm.s32 $0x20;
	v57 =	vor.u32 $0x3, v45;
	v58 =	vor.u32 $0x2, v45;
	v59 =	vor.u32 $0x1, v45;
	v54 =	vld.idx.msk [tilespmem:v55+s3+$0x0], $0xffff;
	[tilespmem:$0x1FFE0] =	vst v2  }
.LBB2_5:
0x1bc: {  	_ =	sdelay $0x2  }
0x1bd: {  	v60 =	vld.idx.msk [tilespmem:v56+s3+$0x0], $0xffff  }
0x1be: {  	v61 =	vld.idx.msk [tilespmem:v57+s3+$0x0], $0xffff  }
0x1bf: {  	v62 =	vld.idx.msk [tilespmem:v58+s3+$0x0], $0xffff  }
0x1c0: {  	v0 =	vld.idx.msk [tilespmem:v45+s3+$0x0], $0xffff  }
0x1c1: {  	v2 =	vld.idx.msk [tilespmem:v45+s1+$0x0], $0xffff  }
0x1c2: {  	v45 =	vld.idx.msk [tilespmem:v45+s5+$0x0], $0xffff  }
0x1c3: {  	v4 =	vld.idx.msk [tilespmem:v59+s1+$0x0], $0xffff  }
0x1c4: {  	[tilespmem:$0x1FF80] =	vst v63;
	v63 =	vld.idx.msk [tilespmem:v59+s3+$0x0], $0xffff  }
0x1c5: {  	v59 =	vld.idx.msk [tilespmem:v59+s5+$0x0], $0xffff  }
0x1c6: {  	v5 =	vld.idx.msk [tilespmem:v58+s1+$0x0], $0xffff  }
0x1c7: {  	v58 =	vld.idx.msk [tilespmem:v58+s5+$0x0], $0xffff;
	v0 =	vmul.f32 v0, v2  }
0x1c8: {  	v7 =	vld.idx.msk [tilespmem:v57+s1+$0x0], $0xffff;
	v2 =	vmul.f32 v45, v2  }
0x1c9: {  	v45 =	vld.idx.msk [tilespmem:v57+s5+$0x0], $0xffff;
	v0 =	vadd.f32 $0.0e+00, v0;
	v57 =	vmul.f32 v63, v4  }
0x1ca: {  	v2 =	vadd.f32 $0.0e+00, v2;
	v63 =	vld.idx.msk [tilespmem:v56+s1+$0x0], $0xffff;
	v4 =	vmul.f32 v59, v4  }
0x1cb: {  	v62 =	vmul.f32 v62, v5;
	v56 =	vld.idx.msk [tilespmem:v56+s5+$0x0], $0xffff;
	v0 =	vadd.f32 v57, v0  }
0x1cc: {  	v59 =	vld.idx.msk [tilespmem:v55+s1+$0x0], $0xffff;
	v2 =	vadd.f32 v4, v2;
	v4 =	vmul.f32 v58, v5  }
0x1cd: {  	v5 =	vld.idx.msk [tilespmem:v55+s5+$0x0], $0xffff;
	v0 =	vadd.f32 v62, v0;
	v62 =	vmul.f32 v61, v7  }
0x1ce: {  	v57 =	vld.idx.msk [tilespmem:v53+s1+$0x0], $0xffff;
	v2 =	vadd.f32 v4, v2;
	v4 =	vmul.f32 v45, v7  }
0x1cf: {  	v7 =	vld.idx.msk [tilespmem:v53+s5+$0x0], $0xffff;
	v58 =	vmul.f32 v60, v63;
	v0 =	vadd.f32 v62, v0  }
0x1d0: {  	v60 =	vld.idx.msk [tilespmem:v51+s1+$0x0], $0xffff;
	v2 =	vadd.f32 v4, v2;
	v4 =	vmul.f32 v56, v63  }
0x1d1: {  	v61 =	vld.idx.msk [tilespmem:v51+s5+$0x0], $0xffff;
	v62 =	vmul.f32 v54, v59;
	v0 =	vadd.f32 v58, v0  }
0x1d2: {  	v63 =	vld.idx.msk [tilespmem:v49+s1+$0x0], $0xffff;
	v2 =	vadd.f32 v4, v2;
	v4 =	vmul.f32 v5, v59  }
0x1d3: {  	v55 =	vmul.f32 v52, v57;
	v5 =	vld.idx.msk [tilespmem:v49+s5+$0x0], $0xffff;
	v0 =	vadd.f32 v62, v0  }
0x1d4: {  	v56 =	vld.idx.msk [tilespmem:v47+s1+$0x0], $0xffff;
	v2 =	vadd.f32 v4, v2;
	v4 =	vmul.f32 v7, v57  }
0x1d5: {  	v7 =	vld.idx.msk [tilespmem:v47+s5+$0x0], $0xffff;
	v58 =	vmul.f32 v50, v60;
	v0 =	vadd.f32 v55, v0  }
0x1d6: {  	v59 =	vld.idx.msk [tilespmem:v44+s1+$0x0], $0xffff;
	v2 =	vadd.f32 v4, v2;
	v4 =	vmul.f32 v61, v60  }
0x1d7: {  	v60 =	vld.idx.msk [tilespmem:v44+s5+$0x0], $0xffff;
	v61 =	vmul.f32 v48, v63;
	v0 =	vadd.f32 v58, v0  }
0x1d8: {  	v62 =	vld.idx.msk [tilespmem:v42+s1+$0x0], $0xffff;
	v2 =	vadd.f32 v4, v2;
	v4 =	vmul.f32 v5, v63  }
0x1d9: {  	v5 =	vld.idx.msk [tilespmem:v42+s5+$0x0], $0xffff;
	v63 =	vmul.f32 v46, v56;
	v0 =	vadd.f32 v61, v0  }
0x1da: {  	v50 =	vld.idx.msk [tilespmem:v40+s1+$0x0], $0xffff;
	v2 =	vadd.f32 v4, v2;
	v4 =	vmul.f32 v7, v56  }
0x1db: {  	v51 =	vmul.f32 v43, v59;
	v7 =	vld.idx.msk [tilespmem:v40+s5+$0x0], $0xffff;
	v0 =	vadd.f32 v63, v0  }
0x1dc: {  	v52 =	vld.idx.msk [tilespmem:v38+s1+$0x0], $0xffff;
	v2 =	vadd.f32 v4, v2;
	v4 =	vmul.f32 v60, v59  }
0x1dd: {  	v53 =	vld.idx.msk [tilespmem:v38+s5+$0x0], $0xffff;
	v54 =	vmul.f32 v41, v62;
	v0 =	vadd.f32 v51, v0  }
0x1de: {  	v55 =	vld.idx.msk [tilespmem:v36+s1+$0x0], $0xffff;
	v2 =	vadd.f32 v4, v2;
	v4 =	vmul.f32 v5, v62  }
0x1df: {  	v56 =	vmul.f32 v39, v50;
	v5 =	vld.idx.msk [tilespmem:v36+s5+$0x0], $0xffff;
	v0 =	vadd.f32 v54, v0  }
0x1e0: {  	v57 =	vld.idx.msk [tilespmem:v34+s1+$0x0], $0xffff;
	v2 =	vadd.f32 v4, v2;
	v4 =	vmul.f32 v7, v50  }
0x1e1: {  	v58 =	vmul.f32 v37, v52;
	v7 =	vld.idx.msk [tilespmem:v34+s5+$0x0], $0xffff;
	v0 =	vadd.f32 v56, v0  }
0x1e2: {  	v59 =	vld.idx.msk [tilespmem:v32+s1+$0x0], $0xffff;
	v2 =	vadd.f32 v4, v2;
	v4 =	vmul.f32 v53, v52  }
0x1e3: {  	v61 =	vmul.f32 v35, v55;
	v60 =	vld.idx.msk [tilespmem:v32+s5+$0x0], $0xffff;
	v0 =	vadd.f32 v58, v0  }
0x1e4: {  	v62 =	vld.idx.msk [tilespmem:v30+s1+$0x0], $0xffff;
	v2 =	vadd.f32 v4, v2;
	v4 =	vmul.f32 v5, v55  }
0x1e5: {  	v5 =	vld.idx.msk [tilespmem:v30+s5+$0x0], $0xffff;
	v30 =	vmul.f32 v33, v57;
	v0 =	vadd.f32 v61, v0  }
0x1e6: {  	v63 =	vld.idx.msk [tilespmem:v28+s1+$0x0], $0xffff;
	v2 =	vadd.f32 v4, v2;
	v4 =	vmul.f32 v7, v57  }
0x1e7: {  	v7 =	vld.idx.msk [tilespmem:v28+s5+$0x0], $0xffff;
	v28 =	vmul.f32 v31, v59;
	v0 =	vadd.f32 v30, v0  }
0x1e8: {  	v30 =	vld.idx.msk [tilespmem:v26+s1+$0x0], $0xffff;
	v2 =	vadd.f32 v4, v2;
	v4 =	vmul.f32 v60, v59  }
0x1e9: {  	v26 =	vld.idx.msk [tilespmem:v26+s5+$0x0], $0xffff;
	v0 =	vadd.f32 v28, v0;
	v28 =	vmul.f32 v29, v62  }
0x1ea: {  	v29 =	vld.idx.msk [tilespmem:v24+s1+$0x0], $0xffff;
	v2 =	vadd.f32 v4, v2;
	v4 =	vmul.f32 v5, v62  }
0x1eb: {  	v5 =	vld.idx.msk [tilespmem:v24+s5+$0x0], $0xffff;
	v24 =	vmul.f32 v27, v63;
	v0 =	vadd.f32 v28, v0  }
0x1ec: {  	v27 =	vld.idx.msk [tilespmem:v22+s1+$0x0], $0xffff;
	v2 =	vadd.f32 v4, v2;
	v4 =	vmul.f32 v7, v63  }
0x1ed: {  	v7 =	vld.idx.msk [tilespmem:v22+s5+$0x0], $0xffff;
	v22 =	vmul.f32 v25, v30;
	v0 =	vadd.f32 v24, v0  }
0x1ee: {  	v24 =	vld.idx.msk [tilespmem:v20+s1+$0x0], $0xffff;
	v2 =	vadd.f32 v4, v2;
	v4 =	vmul.f32 v26, v30  }
0x1ef: {  	v20 =	vld.idx.msk [tilespmem:v20+s5+$0x0], $0xffff;
	v0 =	vadd.f32 v22, v0;
	v22 =	vmul.f32 v23, v29  }
0x1f0: {  	v23 =	vld.idx.msk [tilespmem:v18+s1+$0x0], $0xffff;
	v2 =	vadd.f32 v4, v2;
	v4 =	vmul.f32 v5, v29  }
0x1f1: {  	v5 =	vld.idx.msk [tilespmem:v18+s5+$0x0], $0xffff;
	v18 =	vmul.f32 v21, v27;
	v0 =	vadd.f32 v22, v0  }
0x1f2: {  	v21 =	vld.idx.msk [tilespmem:v16+s1+$0x0], $0xffff;
	v2 =	vadd.f32 v4, v2;
	v4 =	vmul.f32 v7, v27  }
0x1f3: {  	v7 =	vld.idx.msk [tilespmem:v16+s5+$0x0], $0xffff;
	v16 =	vmul.f32 v19, v24;
	v0 =	vadd.f32 v18, v0  }
0x1f4: {  	v18 =	vld.idx.msk [tilespmem:v14+s1+$0x0], $0xffff;
	v2 =	vadd.f32 v4, v2;
	v4 =	vmul.f32 v20, v24  }
0x1f5: {  	v14 =	vld.idx.msk [tilespmem:v14+s5+$0x0], $0xffff;
	v0 =	vadd.f32 v16, v0;
	v16 =	vmul.f32 v17, v23  }
0x1f6: {  	v17 =	vld.idx.msk [tilespmem:v12+s1+$0x0], $0xffff;
	v2 =	vadd.f32 v4, v2;
	v4 =	vmul.f32 v5, v23  }
0x1f7: {  	v5 =	vld.idx.msk [tilespmem:v12+s5+$0x0], $0xffff;
	v12 =	vmul.f32 v15, v21;
	v0 =	vadd.f32 v16, v0  }
0x1f8: {  	v15 =	vld.idx.msk [tilespmem:v10+s1+$0x0], $0xffff;
	v2 =	vadd.f32 v4, v2;
	v4 =	vmul.f32 v7, v21  }
0x1f9: {  	v7 =	vld.idx.msk [tilespmem:v10+s5+$0x0], $0xffff;
	v10 =	vmul.f32 v13, v18;
	v0 =	vadd.f32 v12, v0  }
0x1fa: {  	v12 =	vld.idx.msk [tilespmem:v8+s1+$0x0], $0xffff;
	v2 =	vadd.f32 v4, v2;
	v4 =	vmul.f32 v14, v18  }
0x1fb: {  	v8 =	vld.idx.msk [tilespmem:v8+s5+$0x0], $0xffff;
	v0 =	vadd.f32 v10, v0;
	v10 =	vmul.f32 v11, v17  }
0x1fc: {  	v11 =	vld.idx.msk [tilespmem:v6+s1+$0x0], $0xffff;
	v2 =	vadd.f32 v4, v2;
	v4 =	vmul.f32 v5, v17  }
0x1fd: {  	v5 =	vld.idx.msk [tilespmem:v6+s5+$0x0], $0xffff;
	v6 =	vmul.f32 v9, v15;
	v0 =	vadd.f32 v10, v0  }
0x1fe: {  	v2 =	vadd.f32 v4, v2;
	v4 =	vmul.f32 v7, v15;
	v7 =	vld.idx.msk [tilespmem:v1+s1+$0x0], $0xffff  }
0x1ff: {  	v0 =	vadd.f32 v6, v0;
	v6 =	vld [tilespmem:$0x1FFE0]  }
0x200: {  	v2 =	vadd.f32 v4, v2;
	v4 =	vmul.f32 v8, v12;
	v8 =	vld.idx.msk [tilespmem:v1+s5+$0x0], $0xffff  }
0x201: {  	v1 =	vld [tilespmem:$0x1FFD0];
	_ =	sdelay $0x2  }
0x202: {  	v6 =	vmul.f32 v6, v12;
	_ =	sdelay $0x1  }
0x203: {  	v1 =	vmul.f32 v1, v11;
	v0 =	vadd.f32 v6, v0  }
0x204: {  	v9 =	vld.idx.msk [tilespmem:v3+s1+$0x0], $0xffff  }
0x205: {  	v0 =	vadd.f32 v1, v0;
	v1 =	vld [tilespmem:$0x1FFC0];
	_ =	sdelay $0x3  }
0x206: {  	v2 =	vadd.f32 v4, v2;
	v4 =	vmul.f32 v5, v11  }
0x207: {  	v3 =	vld.idx.msk [tilespmem:v3+s5+$0x0], $0xffff;
	v1 =	vmul.f32 v1, v9  }
0x208: {  	v2 =	vadd.f32 v4, v2;
	v4 =	vld [tilespmem:$0x1FFF0]  }
0x209: {  	v0 =	vadd.f32 v1, v0;
	v1 =	vld [tilespmem:$0x1FF80];
	_ =	sdelay $0x2  }
0x20a: {  	v5 =	vmov s23  }
0x20b: {  	v3 =	vmul.f32 v3, v9;
	v5 =	vshll.u32 v5, $0x7  }
0x20c: {  	v45 =	vor.u32 v4, v5;
	v4 =	vmul.f32 v1, v7  }
0x20d: {  	v2 =	vadd.f32 v3, v2;
	v5 =	vmul.f32 v8, v7;
	v1 =	vor.u32 $0x1F, v45  }
0x20e: {  	v3 =	vor.u32 $0x1E, v45;
	v0 =	vadd.f32 v4, v0  }
0x20f: {  	s22 =	sadd.s32 $0x10, s22;
	v10 =	vor.u32 $0x1B, v45;
	v2 =	vadd.f32 v5, v2  }
0x210: {  	s21 =	sadd.s32 $0x10, s21;
	v12 =	vor.u32 $0x1A, v45;
	[tilespmem:s22+$0x0] =	vst v0  }
0x211: {  	v14 =	vor.u32 $0x19, v45;
	[tilespmem:s21+$0x0] =	vst v2  }
0x212: {  	v16 =	vor.u32 $0x18, v45;
	v63 =	vld.idx.msk [tilespmem:v1+s3+$0x0], $0xffff  }
0x213: {  	v18 =	vor.u32 $0x17, v45;
	v0 =	vld.idx.msk [tilespmem:v3+s3+$0x0], $0xffff  }
0x214: {  	v20 =	vor.u32 $0x16, v45;
	v9 =	vld.idx.msk [tilespmem:v10+s3+$0x0], $0xffff  }
0x215: {  	v22 =	vor.u32 $0x15, v45;
	v11 =	vld.idx.msk [tilespmem:v12+s3+$0x0], $0xffff  }
0x216: {  	v24 =	vor.u32 $0x14, v45;
	v13 =	vld.idx.msk [tilespmem:v14+s3+$0x0], $0xffff  }
0x217: {  	v26 =	vor.u32 $0x13, v45;
	v15 =	vld.idx.msk [tilespmem:v16+s3+$0x0], $0xffff  }
0x218: {  	v28 =	vor.u32 $0x12, v45;
	v17 =	vld.idx.msk [tilespmem:v18+s3+$0x0], $0xffff  }
0x219: {  	v30 =	vor.u32 $0x11, v45;
	v19 =	vld.idx.msk [tilespmem:v20+s3+$0x0], $0xffff  }
0x21a: {  	v32 =	vor.u32 $0x10, v45;
	v21 =	vld.idx.msk [tilespmem:v22+s3+$0x0], $0xffff  }
0x21b: {  	v34 =	vor.u32 $0xF, v45;
	v23 =	vld.idx.msk [tilespmem:v24+s3+$0x0], $0xffff  }
0x21c: {  	v36 =	vor.u32 $0xE, v45;
	v25 =	vld.idx.msk [tilespmem:v26+s3+$0x0], $0xffff  }
0x21d: {  	v6 =	vor.u32 $0x1D, v45;
	v27 =	vld.idx.msk [tilespmem:v28+s3+$0x0], $0xffff  }
0x21e: {  	v38 =	vor.u32 $0xD, v45;
	v29 =	vld.idx.msk [tilespmem:v30+s3+$0x0], $0xffff  }
0x21f: {  	v40 =	vor.u32 $0xC, v45;
	v31 =	vld.idx.msk [tilespmem:v32+s3+$0x0], $0xffff  }
0x220: {  	v42 =	vor.u32 $0xB, v45;
	v33 =	vld.idx.msk [tilespmem:v34+s3+$0x0], $0xffff  }
0x221: {  	v44 =	vor.u32 $0xA, v45;
	v35 =	vld.idx.msk [tilespmem:v36+s3+$0x0], $0xffff  }
0x222: {  	v8 =	vor.u32 $0x1C, v45;
	[tilespmem:$0x1FFC0] =	vst v0;
	v0 =	vld.idx.msk [tilespmem:v6+s3+$0x0], $0xffff  }
0x223: {  	v47 =	vor.u32 $0x9, v45;
	v37 =	vld.idx.msk [tilespmem:v38+s3+$0x0], $0xffff  }
0x224: {  	v49 =	vor.u32 $0x8, v45;
	v39 =	vld.idx.msk [tilespmem:v40+s3+$0x0], $0xffff  }
0x225: {  	v51 =	vor.u32 $0x7, v45;
	v41 =	vld.idx.msk [tilespmem:v42+s3+$0x0], $0xffff  }
0x226: {  	v53 =	vor.u32 $0x6, v45;
	v43 =	vld.idx.msk [tilespmem:v44+s3+$0x0], $0xffff  }
0x227: {  	p1 =	sne.s32 s23, $0xF0;
	v55 =	vor.u32 $0x5, v45;
	[tilespmem:$0x1FFD0] =	vst v0;
	v0 =	vld.idx.msk [tilespmem:v8+s3+$0x0], $0xffff  }
.Ltmp1:
0x228: {  	v46 =	vld.idx.msk [tilespmem:v47+s3+$0x0], $0xffff;
	(pc) =	sbr.rel @p1 .LBB2_5-.Ltmp1, $4  }
0x229: {  	v48 =	vld.idx.msk [tilespmem:v49+s3+$0x0], $0xffff  }
0x22a: {  	v50 =	vld.idx.msk [tilespmem:v51+s3+$0x0], $0xffff  }
0x22b: {  	v56 =	vor.u32 $0x4, v45;
	v52 =	vld.idx.msk [tilespmem:v53+s3+$0x0], $0xffff  }
0x22c: {  	s23 =	sadd.s32 $0x10, s23;
	v57 =	vor.u32 $0x3, v45;
	v58 =	vor.u32 $0x2, v45;
	v59 =	vor.u32 $0x1, v45;
	v54 =	vld.idx.msk [tilespmem:v55+s3+$0x0], $0xffff;
	[tilespmem:$0x1FFE0] =	vst v0  }
0x22d: {  	_ =	sdelay $0x3  }
0x22e: {  	v0 =	vld.idx.msk [tilespmem:v58+s3+$0x0], $0xffff  }
0x22f: {  	v2 =	vld.idx.msk [tilespmem:v59+s3+$0x0], $0xffff  }
0x230: {  	v4 =	vld.idx.msk [tilespmem:v45+s3+$0x0], $0xffff  }
0x231: {  	v5 =	vld.idx.msk [tilespmem:v45+s1+$0x0], $0xffff  }
0x232: {  	v7 =	vld.idx.msk [tilespmem:v45+s5+$0x0], $0xffff  }
0x233: {  	v45 =	vld.idx.msk [tilespmem:v59+s1+$0x0], $0xffff  }
0x234: {  	v59 =	vld.idx.msk [tilespmem:v59+s5+$0x0], $0xffff  }
0x235: {  	v60 =	vld.idx.msk [tilespmem:v58+s1+$0x0], $0xffff  }
0x236: {  	v58 =	vld.idx.msk [tilespmem:v58+s5+$0x0], $0xffff  }
0x237: {  	v61 =	vld.idx.msk [tilespmem:v57+s3+$0x0], $0xffff  }
0x238: {  	v62 =	vld.idx.msk [tilespmem:v57+s1+$0x0], $0xffff  }
0x239: {  	v4 =	vmul.f32 v4, v5;
	v5 =	vmul.f32 v7, v5;
	v7 =	vld.idx.msk [tilespmem:v57+s5+$0x0], $0xffff  }
0x23a: {  	v57 =	vld.idx.msk [tilespmem:v56+s3+$0x0], $0xffff  }
0x23b: {  	v2 =	vmul.f32 v2, v45;
	v45 =	vmul.f32 v59, v45;
	v59 =	vld.idx.msk [tilespmem:v56+s1+$0x0], $0xffff;
	v4 =	vadd.f32 $0.0e+00, v4  }
0x23c: {  	v0 =	vmul.f32 v0, v60;
	v60 =	vmul.f32 v58, v60;
	v58 =	vld.idx.msk [tilespmem:v53+s5+$0x0], $0xffff  }
0x23d: {  	v5 =	vadd.f32 $0.0e+00, v5;
	v2 =	vadd.f32 v2, v4;
	v4 =	vld.idx.msk [tilespmem:v56+s5+$0x0], $0xffff  }
0x23e: {  	v56 =	vld.idx.msk [tilespmem:v55+s1+$0x0], $0xffff  }
0x23f: {  	v5 =	vadd.f32 v45, v5;
	v45 =	vld.idx.msk [tilespmem:v53+s1+$0x0], $0xffff  }
0x240: {  	v61 =	vmul.f32 v61, v62;
	v7 =	vmul.f32 v7, v62;
	v62 =	vld.idx.msk [tilespmem:v51+s5+$0x0], $0xffff  }
0x241: {  	v0 =	vadd.f32 v0, v2;
	v2 =	vld.idx.msk [tilespmem:v55+s5+$0x0], $0xffff  }
0x242: {  	v5 =	vadd.f32 v60, v5;
	v55 =	vld.idx.msk [tilespmem:v40+s5+$0x0], $0xffff  }
0x243: {  	v60 =	vmul.f32 v57, v59;
	v0 =	vadd.f32 v61, v0;
	v61 =	vld.idx.msk [tilespmem:v51+s1+$0x0], $0xffff  }
0x244: {  	v5 =	vadd.f32 v7, v5;
	v51 =	vld.idx.msk [tilespmem:v42+s1+$0x0], $0xffff;
	v4 =	vmul.f32 v4, v59  }
0x245: {  	v54 =	vmul.f32 v54, v56;
	v57 =	vmul.f32 v58, v45;
	v58 =	vld.idx.msk [tilespmem:v47+s1+$0x0], $0xffff;
	v0 =	vadd.f32 v60, v0  }
0x246: {  	v4 =	vadd.f32 v4, v5;
	v2 =	vmul.f32 v2, v56;
	v5 =	vld.idx.msk [tilespmem:v49+s1+$0x0], $0xffff  }
0x247: {  	v52 =	vmul.f32 v52, v45;
	v56 =	vld.idx.msk [tilespmem:v49+s5+$0x0], $0xffff;
	v0 =	vadd.f32 v54, v0  }
0x248: {  	v59 =	vld.idx.msk [tilespmem:v47+s5+$0x0], $0xffff;
	v2 =	vadd.f32 v2, v4  }
0x249: {  	v45 =	vld.idx.msk [tilespmem:v34+s5+$0x0], $0xffff;
	v50 =	vmul.f32 v50, v61;
	v0 =	vadd.f32 v52, v0  }
0x24a: {  	v60 =	vmul.f32 v62, v61;
	v61 =	vld.idx.msk [tilespmem:v44+s1+$0x0], $0xffff;
	v2 =	vadd.f32 v57, v2  }
0x24b: {  	v62 =	vld.idx.msk [tilespmem:v44+s5+$0x0], $0xffff;
	v0 =	vadd.f32 v50, v0;
	v48 =	vmul.f32 v48, v5  }
0x24c: {  	v47 =	vld.idx.msk [tilespmem:v32+s1+$0x0], $0xffff;
	v50 =	vmul.f32 v56, v5;
	v2 =	vadd.f32 v60, v2  }
0x24d: {  	v52 =	vld.idx.msk [tilespmem:v42+s5+$0x0], $0xffff;
	v46 =	vmul.f32 v46, v58;
	v0 =	vadd.f32 v48, v0  }
0x24e: {  	v54 =	vld.idx.msk [tilespmem:v40+s1+$0x0], $0xffff;
	v53 =	vmul.f32 v59, v58;
	v2 =	vadd.f32 v50, v2  }
0x24f: {  	v44 =	vld.idx.msk [tilespmem:v34+s1+$0x0], $0xffff;
	v43 =	vmul.f32 v43, v61;
	v0 =	vadd.f32 v46, v0  }
0x250: {  	v57 =	vld.idx.msk [tilespmem:v38+s1+$0x0], $0xffff;
	v56 =	vmul.f32 v62, v61;
	v2 =	vadd.f32 v53, v2  }
0x251: {  	v41 =	vmul.f32 v41, v51;
	v58 =	vld.idx.msk [tilespmem:v38+s5+$0x0], $0xffff;
	v0 =	vadd.f32 v43, v0  }
0x252: {  	v60 =	vld.idx.msk [tilespmem:v36+s1+$0x0], $0xffff;
	v59 =	vmul.f32 v52, v51;
	v2 =	vadd.f32 v56, v2  }
0x253: {  	v39 =	vmul.f32 v39, v54;
	v61 =	vld.idx.msk [tilespmem:v36+s5+$0x0], $0xffff;
	v0 =	vadd.f32 v41, v0  }
0x254: {  	v42 =	vld.idx.msk [tilespmem:v14+s5+$0x0], $0xffff;
	v62 =	vmul.f32 v55, v54;
	v2 =	vadd.f32 v59, v2  }
0x255: {  	v38 =	vld.idx.msk [tilespmem:v16+s1+$0x0], $0xffff;
	v37 =	vmul.f32 v37, v57;
	v0 =	vadd.f32 v39, v0  }
0x256: {  	v48 =	vld.idx.msk [tilespmem:v32+s5+$0x0], $0xffff;
	v46 =	vmul.f32 v58, v57;
	v2 =	vadd.f32 v62, v2  }
0x257: {  	v54 =	vld.idx.msk [tilespmem:v28+s5+$0x0], $0xffff;
	v35 =	vmul.f32 v35, v60;
	v0 =	vadd.f32 v37, v0  }
0x258: {  	v50 =	vld.idx.msk [tilespmem:v30+s1+$0x0], $0xffff;
	v49 =	vmul.f32 v61, v60;
	v2 =	vadd.f32 v46, v2  }
0x259: {  	v33 =	vmul.f32 v33, v44;
	v51 =	vld.idx.msk [tilespmem:v30+s5+$0x0], $0xffff;
	v0 =	vadd.f32 v35, v0  }
0x25a: {  	v52 =	vmul.f32 v45, v44;
	v53 =	vld.idx.msk [tilespmem:v28+s1+$0x0], $0xffff;
	v2 =	vadd.f32 v49, v2  }
0x25b: {  	v31 =	vmul.f32 v31, v47;
	v32 =	vld.idx.msk [tilespmem:v20+s1+$0x0], $0xffff;
	v0 =	vadd.f32 v33, v0  }
0x25c: {  	v55 =	vmul.f32 v48, v47;
	v56 =	vld.idx.msk [tilespmem:v26+s1+$0x0], $0xffff;
	v2 =	vadd.f32 v52, v2  }
0x25d: {  	v57 =	vld.idx.msk [tilespmem:v26+s5+$0x0], $0xffff;
	v29 =	vmul.f32 v29, v50;
	v0 =	vadd.f32 v31, v0  }
0x25e: {  	v58 =	vmul.f32 v51, v50;
	v59 =	vld.idx.msk [tilespmem:v24+s1+$0x0], $0xffff;
	v2 =	vadd.f32 v55, v2  }
0x25f: {  	v60 =	vld.idx.msk [tilespmem:v24+s5+$0x0], $0xffff;
	v27 =	vmul.f32 v27, v53;
	v0 =	vadd.f32 v29, v0  }
0x260: {  	v61 =	vmul.f32 v54, v53;
	v62 =	vld.idx.msk [tilespmem:v22+s1+$0x0], $0xffff;
	v2 =	vadd.f32 v58, v2  }
0x261: {  	v30 =	vld.idx.msk [tilespmem:v22+s5+$0x0], $0xffff;
	v25 =	vmul.f32 v25, v56;
	v0 =	vadd.f32 v27, v0  }
0x262: {  	v36 =	vld.idx.msk [tilespmem:v18+s5+$0x0], $0xffff;
	v31 =	vmul.f32 v57, v56;
	v2 =	vadd.f32 v61, v2  }
0x263: {  	v23 =	vmul.f32 v23, v59;
	v33 =	vld.idx.msk [tilespmem:v20+s5+$0x0], $0xffff;
	v0 =	vadd.f32 v25, v0  }
0x264: {  	v34 =	vmul.f32 v60, v59;
	v35 =	vld.idx.msk [tilespmem:v18+s1+$0x0], $0xffff;
	v2 =	vadd.f32 v31, v2  }
0x265: {  	v44 =	vld.idx.msk [tilespmem:v12+s1+$0x0], $0xffff;
	v21 =	vmul.f32 v21, v62;
	v0 =	vadd.f32 v23, v0  }
0x266: {  	v45 =	vld.idx.msk [tilespmem:v12+s5+$0x0], $0xffff;
	v37 =	vmul.f32 v30, v62;
	v2 =	vadd.f32 v34, v2  }
0x267: {  	v19 =	vmul.f32 v19, v32;
	v39 =	vld.idx.msk [tilespmem:v16+s5+$0x0], $0xffff;
	v0 =	vadd.f32 v21, v0  }
0x268: {  	v41 =	vld.idx.msk [tilespmem:v14+s1+$0x0], $0xffff;
	v40 =	vmul.f32 v33, v32;
	v2 =	vadd.f32 v37, v2  }
0x269: {  	v47 =	vld.idx.msk [tilespmem:v10+s1+$0x0], $0xffff;
	v17 =	vmul.f32 v17, v35;
	v0 =	vadd.f32 v19, v0  }
0x26a: {  	v48 =	vld.idx.msk [tilespmem:v10+s5+$0x0], $0xffff;
	v43 =	vmul.f32 v36, v35;
	v2 =	vadd.f32 v40, v2  }
0x26b: {  	v15 =	vmul.f32 v15, v38;
	v50 =	vld.idx.msk [tilespmem:v8+s1+$0x0], $0xffff;
	v0 =	vadd.f32 v17, v0  }
0x26c: {  	v51 =	vld.idx.msk [tilespmem:v8+s5+$0x0], $0xffff;
	v46 =	vmul.f32 v39, v38;
	v2 =	vadd.f32 v43, v2  }
0x26d: {  	v53 =	vld.idx.msk [tilespmem:v6+s1+$0x0], $0xffff;
	v13 =	vmul.f32 v13, v41;
	v0 =	vadd.f32 v15, v0  }
0x26e: {  	v49 =	vmul.f32 v42, v41;
	v57 =	vld [tilespmem:$0x1FFE0];
	v2 =	vadd.f32 v46, v2  }
0x26f: {  	v11 =	vmul.f32 v11, v44;
	v54 =	vld.idx.msk [tilespmem:v6+s5+$0x0], $0xffff;
	v0 =	vadd.f32 v13, v0  }
0x270: {  	v60 =	vld [tilespmem:$0x1FFD0];
	v52 =	vmul.f32 v45, v44;
	v2 =	vadd.f32 v49, v2  }
0x271: {  	v9 =	vmul.f32 v9, v47;
	v62 =	vld [tilespmem:$0x1FFC0];
	v0 =	vadd.f32 v11, v0  }
0x272: {  	v56 =	vld.idx.msk [tilespmem:v3+s1+$0x0], $0xffff;
	v55 =	vmul.f32 v48, v47;
	v2 =	vadd.f32 v52, v2  }
0x273: {  	v3 =	vld.idx.msk [tilespmem:v3+s5+$0x0], $0xffff;
	v0 =	vadd.f32 v9, v0;
	v9 =	vmul.f32 v57, v50  }
0x274: {  	v59 =	vld.idx.msk [tilespmem:v1+s1+$0x0], $0xffff;
	v58 =	vmul.f32 v51, v50;
	v2 =	vadd.f32 v55, v2  }
0x275: {  	v1 =	vld.idx.msk [tilespmem:v1+s5+$0x0], $0xffff;
	v8 =	vmul.f32 v60, v53;
	v0 =	vadd.f32 v9, v0  }
0x276: {  	v61 =	vmul.f32 v54, v53;
	v2 =	vadd.f32 v58, v2  }
0x277: {  	v5 =	vmul.f32 v62, v56;
	v0 =	vadd.f32 v8, v0  }
0x278: {  	v3 =	vmul.f32 v3, v56;
	v2 =	vadd.f32 v61, v2  }
0x279: {  	v63 =	vmul.f32 v63, v59;
	v0 =	vadd.f32 v5, v0  }
.Ltmp2:
0x27a: {  	v1 =	vmul.f32 v1, v59;
	v2 =	vadd.f32 v3, v2;
	(pc) =	sbr.rel @p0 .LBB2_2-.Ltmp2, $4  }
0x27b: {  	v0 =	vadd.f32 v63, v0  }
0x27c: {  	s0 =	sadd.s32 $0x10, s22;
	v1 =	vadd.f32 v1, v2  }
0x27d: {  	s31 =	sadd.s32 $0x10, s21;
	[tilespmem:s0+$0x0] =	vst v0  }
0x27e: {  	p1 =	por $0x0, $0x0;
	s0 =	simm.s32 $0x100;
	v0 =	vld [tilespmem:$0x1FFF0];
	[tilespmem:s31+$0x0] =	vst v1  }
0x27f: {  	s0 =	sld [smem:$0x7FB];
	_ =	sdelay $0x1  }
0x280: {  	s1 =	simm.s32 $0x18600  }
0x281: {  	[hbm4b:s0+s2] =	stream.linear.scatter [tilespmem:s1], [sflag:$0x2], $0x200, $0x38;
	[tilespmem:$0x18A00] =	vst v63  }
0x282: {  	s1 =	simm.s32 $0x2  }
0x283: {  	_ =	swait.ge [sflag:s1], $0x200  }
0x284: {  	s29 =	sld [smem:$0x7FC]  }
0x285: {  	[sflag:s1] =	ssyncset.done $0x0  }
0x286: {  	s3 =	simm.s32 $0x18800;
	[sflag:s1] =	ssyncadd.s32 $0xFFFFFE00  }
0x287: {  	[hbm4b:s29+s2] =	stream.linear.scatter [tilespmem:s3], [sflag:$0x2], $0x200, $0x38;
	[tilespmem:$0x18A00] =	vst v63  }
0x288: {  	_ =	swait.ge [sflag:s1], $0x200  }
0x289: {  	s30 =	sld [smem:$0x7F7]  }
0x28a: {  	s31 =	sld [smem:$0x7FD];
	_ =	sdelay $0x1  }
0x28b: {  	s3 =	sadd.s32 $0x1, s30  }
0x28c: {  	p0 =	sne.s32 s3, s31  }
.Ltmp3:
0x28d: {  	_ = 	snop;
	(pc) =	sbr.rel @p0 .LBB2_1-.Ltmp3, $3  }
0x28e: {  	_ =	sdelay $0x1  }
0x28f: {  	[sflag:s1] =	ssyncset.done $0x0  }
0x290: {  	[sflag:s1] =	ssyncadd.s32 $0xFFFFFE00  }
0x291: {  	_ =	sfence.sel $0x180000  }
0x292: {  	[bflag:$0x0] =	sbarrier.arrive $0xFFFF  }
0x293: {  	_ =	strace $0x90000047  }
0x294: {  	s0 =	stileid.u32;
	[bflag:$0x2] =	sbarrier.arrive $0xFFFF  }
0x295: {  	p0 =	sne.s32 s0, $0x0;
	s0 =	rddreg [dreg:$0x6]  }
0x296: {  	s0 =	sadd.s32 @!p0 $0x100000, s0  }
0x297: {  	[sflag:s0] =	ssyncadd.tile.s32 @!p0 $0x1;
	_ =	shalt  }
.Lfunc_end2:
_tile_overlayer_lowered:
.L_overlay_start_2:
0x298: {  	(tag) =	ssettag $0x2  }
0x299: {  	s0 =	rddreg [dreg:$0x0];
	s2 =	stileid.u32  }
0x29a: {  	s1 =	rddreg [dreg:$0x1];
	p0 =	sne.s32 s2, $0x0  }
0x29b: {  	s3 =	rddreg [dreg:$0x2];
	[bflag:$0x3] =	sbarrier.arrive $0xFFFF;
	s2 =	simm.s32 @!p0 $0x1C02  }
0x29c: {  	[timem:s3], [sflag:s2] =	dma.local @!p0 [hbm:s0], s1  }
0x29d: {  	s0 =	simm.s32 @!p0 $0x2  }
0x29e: {  	_ =	swait.ge @!p0 [sflag:s0], s1  }
0x29f: {  	s1 =	ssub.s32 @!p0 $0x0, s1;
	[sflag:s0] =	ssyncset.done @!p0 $0x0  }
0x2a0: {  	[sflag:s0] =	ssyncadd.s32 @!p0 s1  }
0x2a1: {  	[bflag:$0x3] =	sbarrier.arrive $0xFFFF  }
0x2a2: {  	_ =	shalt  }

</sc_bundles>
